<compile_context>
chip_gen: v7x
topology: tpu7x:2x2x1
jax: 0.10.2.dev20260603
libtpu: 0.0.44.dev20260713+nightly
codegen_flags: <defaults>
</compile_context>

<pallas_src>
import functools

import jax
import jax.numpy as jnp
from jax import lax
from jax.experimental import pallas as pl
from jax.experimental.pallas import tpu as pltpu
from jax.experimental.pallas import tpu_sc as plsc

B = 512
NUM_EDGES = 8192
NUM_NODES = 4096
PRE_LEN = 4
NUM_DIR = 8
MAX_ADJ = 16

NC = 2
NS = 16
L = 16
NW = NC * NS
RPW = B // NW

_BB = 64


def _tc_stats_body(x_ref, d_ref, mx_ref, lse_ref, am_ref, vd_ref):
    ms, lses, ams, vds = [], [], [], []
    for d in range(PRE_LEN):
        x = x_ref[:, d * NUM_EDGES:(d + 1) * NUM_EDGES]
        m = jnp.max(x, axis=1)
        lses.append(jnp.log(jnp.sum(jnp.exp(x - m[:, None]), axis=1))[:, None])
        ms.append(m[:, None])
        xd = d_ref[:, d * NUM_DIR:(d + 1) * NUM_DIR]
        md = jnp.max(xd, axis=1)
        vds.append(-jnp.log(jnp.sum(jnp.exp(xd - md[:, None]), axis=1))[:, None])
        lane = lax.broadcasted_iota(jnp.int32, xd.shape, 1)
        am = jnp.min(jnp.where(xd == md[:, None], lane, jnp.int32(NUM_DIR)),
                     axis=1)
        ams.append(am[:, None])
    mx_ref[...] = jnp.concatenate(ms, axis=1)
    lse_ref[...] = jnp.concatenate(lses, axis=1)
    am_ref[...] = jnp.concatenate(ams, axis=1)
    vd_ref[...] = jnp.concatenate(vds, axis=1)


def _tc_stats(pred, pred_d):
    out4 = jax.ShapeDtypeStruct((B, PRE_LEN), jnp.float32)
    out4i = jax.ShapeDtypeStruct((B, PRE_LEN), jnp.int32)
    return pl.pallas_call(
        _tc_stats_body,
        grid=(B // _BB,),
        in_specs=[
            pl.BlockSpec((_BB, PRE_LEN * NUM_EDGES), lambda i: (i, 0)),
            pl.BlockSpec((_BB, PRE_LEN * NUM_DIR), lambda i: (i, 0)),
        ],
        out_specs=[pl.BlockSpec((_BB, PRE_LEN), lambda i: (i, 0))] * 4,
        out_shape=[out4, out4, out4i, out4],
    )(pred, pred_d)


def _sc_chain_body(predf, gt0, obs, ge0, ge1, adj, padval,
                   outp_hbm, outv_hbm,
                   idx_v, en_v, naj_v, pidx_v, pval_v, najm_v,
                   padv_v, lastp_v, bestv_v, bestn_v, outp_v, outv_v,
                   sem, sem2):
    c = lax.axis_index("c")
    s = lax.axis_index("s")
    wid = s * NC + c
    base = wid * RPW

    pltpu.sync_copy(padval, padv_v)
    pltpu.sync_copy(gt0.at[pl.ds(base, RPW)], idx_v)
    pltpu.async_copy(ge0.at[idx_v], en_v, sem).wait()
    en_v[...] = en_v[...] - 1
    pltpu.sync_copy(obs.at[pl.ds(base, RPW)], idx_v)
    last_pred = idx_v[...]
    padv = padv_v[...]
    lanes = lax.iota(jnp.int32, L)
    bvec = base + lanes

    lastp_v[...] = last_pred

    @pl.loop(0, PRE_LEN)
    def _dim_body(dim):
        pltpu.async_copy(adj.at[en_v], naj_v, sem).wait()
        last_pred = lastp_v[...]

        @pl.loop(0, MAX_ADJ)
        def _stage(j):
            col = plsc.load_gather(
                naj_v, [lanes, jnp.broadcast_to(j, (L,))])
            pad = (col == jnp.int32(NUM_EDGES)) | (col == last_pred)
            najm = jnp.where(pad, jnp.int32(NUM_EDGES), col)
            a, off = j >> 3, (j & 7) * L
            najm_v[a, pl.ds(off, L)] = najm
            cc = dim * jnp.int32(NUM_EDGES) + jnp.where(pad, jnp.int32(0), col)
            flat = (((bvec >> 3) << 18) | ((cc >> 7) << 10)
                    | ((bvec & 7) << 7) | (cc & 127))
            pidx_v[a, pl.ds(off, L)] = flat

        c0 = pltpu.async_copy(predf.at[pidx_v.at[0]], pval_v.at[0], sem)
        c1 = pltpu.async_copy(predf.at[pidx_v.at[1]], pval_v.at[1], sem2)
        c0.wait()
        c1.wait()
        najm0 = najm_v[0, pl.ds(0, L)]
        v0 = pval_v[0, pl.ds(0, L)]
        bestn_v[...] = najm0
        bestv_v[...] = jnp.where(najm0 == jnp.int32(NUM_EDGES), -jnp.inf, v0)

        @pl.loop(1, MAX_ADJ)
        def _scan(j):
            a, off = j >> 3, (j & 7) * L
            najm = najm_v[a, pl.ds(off, L)]
            v = pval_v[a, pl.ds(off, L)]
            v = jnp.where(najm == jnp.int32(NUM_EDGES), -jnp.inf, v)
            bv = bestv_v[...]
            upd = v > bv
            bestv_v[...] = jnp.where(upd, v, bv)
            bestn_v[...] = jnp.where(upd, najm, bestn_v[...])

        best_n = bestn_v[...]
        cur = jnp.where(best_n == jnp.int32(NUM_EDGES), padv, best_n)
        oidx = lanes * jnp.int32(PRE_LEN) + dim
        plsc.store_scatter(outp_v, [oidx], cur)
        plsc.store_scatter(outv_v, [oidx], bestv_v[...])
        lastp_v[...] = cur

        @pl.when(dim != PRE_LEN - 1)
        def _():
            idx_v[...] = cur
            pltpu.async_copy(ge1.at[idx_v], en_v, sem).wait()
            en_v[...] = en_v[...] - 1

    pltpu.sync_copy(outp_v, outp_hbm.at[pl.ds(base * PRE_LEN, RPW * PRE_LEN)])
    pltpu.sync_copy(outv_v, outv_hbm.at[pl.ds(base * PRE_LEN, RPW * PRE_LEN)])


def _sc_chain(predf, gt0, obs, ge0, ge1, adj, padval):
    mesh = plsc.VectorSubcoreMesh(core_axis_name="c", subcore_axis_name="s",
                                  num_cores=NC, num_subcores=NS)
    fn = pl.kernel(
        _sc_chain_body,
        compiler_params=pltpu.CompilerParams(needs_layout_passes=False,
                                             use_tc_tiling_on_sc=False),
        out_type=[
            jax.ShapeDtypeStruct((B * PRE_LEN,), jnp.int32),
            jax.ShapeDtypeStruct((B * PRE_LEN,), jnp.float32),
        ],
        mesh=mesh,
        scratch_types=[
            pltpu.VMEM((RPW,), jnp.int32),
            pltpu.VMEM((RPW,), jnp.int32),
            pltpu.VMEM((RPW, MAX_ADJ), jnp.int32),
            pltpu.VMEM((2, 128), jnp.int32),
            pltpu.VMEM((2, 128), jnp.float32),
            pltpu.VMEM((2, 128), jnp.int32),
            pltpu.VMEM((L,), jnp.int32),
            pltpu.VMEM((L,), jnp.int32),
            pltpu.VMEM((L,), jnp.float32),
            pltpu.VMEM((L,), jnp.int32),
            pltpu.VMEM((RPW * PRE_LEN,), jnp.int32),
            pltpu.VMEM((RPW * PRE_LEN,), jnp.float32),
            pltpu.SemaphoreType.DMA,
            pltpu.SemaphoreType.DMA,
        ],
    )
    return fn(predf, gt0, obs, ge0, ge1, adj, padval)


def kernel(pred, pred_d, gt, direction_gt, obs, graph_edges, node_adj_edges,
           offset):
    mx, lse, am, vd = _tc_stats(pred, pred_d)

    width = PRE_LEN * NUM_EDGES
    predf = (pred.reshape(B // 8, 8, width // 128, 128)
             .transpose(0, 2, 1, 3).reshape(B * width))
    gt0 = gt[:, 0]
    ge0 = graph_edges[:, 0]
    ge1 = graph_edges[:, 1]
    padval = jnp.full((L,), NUM_EDGES, jnp.int32) - offset[0]
    predT, rawT = _sc_chain(predf, gt0, obs, ge0, ge1, node_adj_edges, padval)

    prediction = predT.reshape(B, PRE_LEN)
    values = (rawT.reshape(B, PRE_LEN) - mx) - lse
    return prediction, am, values, vd

# --- scband reference (transcript-rebuilt; emitter-appended) ---
"""Pipeline reference for scband-rnn-73710228734683 (READ-ONLY COPY).

The authoritative reference and input builder live on the scoring server;
editing this copy changes nothing except your own understanding.
"""

import jax, jax.numpy as jnp
import numpy as np

B = 512
NUM_EDGES = 8192
NUM_NODES = 4096
PRE_LEN = 4
NUM_DIR = 8
MAX_ADJ = 16


def setup_inputs(seed: int = 0):
    key = jax.random.key(seed)
    ks = jax.random.split(key, 8)
    pred = jax.random.normal(ks[0], (B, NUM_EDGES * PRE_LEN), dtype=jnp.float32)
    pred_d = jax.random.normal(ks[1], (B, NUM_DIR * PRE_LEN), dtype=jnp.float32)
    gt = jax.random.randint(ks[2], (B, PRE_LEN), 0, NUM_EDGES)
    direction_gt = jax.random.randint(ks[3], (B, PRE_LEN), 0, NUM_DIR)
    obs = jax.random.randint(ks[4], (B,), 0, NUM_EDGES)
    graph_edges = jax.random.randint(ks[5], (NUM_EDGES, 3), 1, NUM_NODES + 1)
    node_adj_edges = jax.random.randint(ks[6], (NUM_NODES, MAX_ADJ), 0, NUM_EDGES + 1)
    offset = jnp.ones((1,), dtype=jnp.int32)
    return {"pred": pred, "pred_d": pred_d, "gt": gt, "direction_gt": direction_gt,
            "obs": obs, "graph_edges": graph_edges, "node_adj_edges": node_adj_edges,
            "offset": offset}


def reference(pred, pred_d, gt, direction_gt, obs, graph_edges, node_adj_edges, offset):
    # Faithful JAX port of RNN.get_predictions: per-step adjacency-constrained
    # argmax (top-1) over masked log-softmax edge scores, with last-edge masking
    # (no immediate U-turn) and padding slot mapped to -inf log-likelihood.
    ids = jnp.arange(B)[:, None]
    neg_col = jnp.full((B, 1), -jnp.inf, dtype=pred.dtype)
    end_node = graph_edges[gt[:, 0]][:, 0] - 1
    last_pred = obs
    preds = []
    preds_d = []
    vals = []
    vals_d = []
    for dim in range(PRE_LEN):
        cur_lp = jax.nn.log_softmax(pred[:, dim * NUM_EDGES:(dim + 1) * NUM_EDGES], axis=1)
        cur_lp = jnp.concatenate([cur_lp, neg_col], axis=-1)
        naj = node_adj_edges[end_node]  # (B, MAX_ADJ) gather
        # mask edges equal to the previously predicted edge -> padding slot
        naj = jnp.where(naj == last_pred[:, None], NUM_EDGES, naj)
        gathered = cur_lp[ids, naj]  # (B, MAX_ADJ)
        best_idx = jnp.argmax(gathered, axis=1)
        best_val = jnp.max(gathered, axis=1)
        cur_pred = naj[jnp.arange(B), best_idx]
        # padding index -> shift back into valid edge range by random offset
        cur_pred = jnp.where(cur_pred == NUM_EDGES, cur_pred - offset[0], cur_pred)
        last_pred = cur_pred
        if dim != PRE_LEN - 1:
            end_node = graph_edges[cur_pred][:, 1] - 1
        dlog = jax.nn.log_softmax(pred_d[:, dim * NUM_DIR:(dim + 1) * NUM_DIR], axis=1)
        preds.append(cur_pred)
        preds_d.append(jnp.argmax(dlog, axis=1))
        vals.append(best_val)
        vals_d.append(jnp.max(dlog, axis=1))
    prediction = jnp.stack(preds, axis=-1)
    prediction_d = jnp.stack(preds_d, axis=-1)
    values = jnp.stack(vals, axis=-1)
    values_d = jnp.stack(vals_d, axis=-1)
    return (prediction, prediction_d, values, values_d)

if __name__ == "__main__":
    import jax
    _d = setup_inputs()
    print(jax.jit(kernel)(*tuple(_d.values())))

</pallas_src>

<mosaic_0001>
#map = affine_map<(d0, d1) -> (0)>
#map1 = affine_map<(d0, d1) -> (0, 0)>
module attributes {stable_mosaic.version = 14 : i64} {
  func.func @_sc_chain_body(%arg0: i32, %arg1: i32, %arg2: memref<16777216xf32, #tpu.memory_space<hbm>>, %arg3: memref<512xi32, #tpu.memory_space<hbm>>, %arg4: memref<512xi32, #tpu.memory_space<hbm>>, %arg5: memref<8192xi32, #tpu.memory_space<hbm>>, %arg6: memref<8192xi32, #tpu.memory_space<hbm>>, %arg7: memref<4096x16xi32, #tpu.memory_space<hbm>>, %arg8: memref<16xi32, #tpu.memory_space<hbm>>, %arg9: memref<2048xi32, #tpu.memory_space<hbm>>, %arg10: memref<2048xf32, #tpu.memory_space<hbm>>, %arg11: memref<16xi32, #tpu.memory_space<vmem>>, %arg12: memref<16xi32, #tpu.memory_space<vmem>>, %arg13: memref<16x16xi32, #tpu.memory_space<vmem>>, %arg14: memref<2x128xi32, #tpu.memory_space<vmem>>, %arg15: memref<2x128xf32, #tpu.memory_space<vmem>>, %arg16: memref<2x128xi32, #tpu.memory_space<vmem>>, %arg17: memref<16xi32, #tpu.memory_space<vmem>>, %arg18: memref<16xi32, #tpu.memory_space<vmem>>, %arg19: memref<16xf32, #tpu.memory_space<vmem>>, %arg20: memref<16xi32, #tpu.memory_space<vmem>>, %arg21: memref<64xi32, #tpu.memory_space<vmem>>, %arg22: memref<64xf32, #tpu.memory_space<vmem>>, %arg23: memref<!tpu.dma_semaphore, #tpu.memory_space<semaphore_mem>>, %arg24: memref<!tpu.dma_semaphore, #tpu.memory_space<semaphore_mem>>) attributes {dimension_semantics = [#tpu.dimension_semantics<core_parallel>, #tpu.dimension_semantics<subcore_parallel>], iteration_bounds = array<i64: 2, 16>, scalar_prefetch = 0 : i64, scratch_operands = 14 : i64, tpu.core_type = #tpu.core_type<sc_vector_subcore>, window_params = [{transform_indices = #map}, {transform_indices = #map}, {transform_indices = #map}, {transform_indices = #map}, {transform_indices = #map}, {transform_indices = #map1}, {transform_indices = #map}, {transform_indices = #map}, {transform_indices = #map}]} {
    %mul3A = arith.constant 2 : i32
    %mul3A_0 = arith.muli %arg1, %mul3A : i32
    %add3A = arith.addi %mul3A_0, %arg0 : i32
    %mul3A_1 = arith.constant 16 : i32
    %mul3A_2 = arith.muli %add3A, %mul3A_1 : i32
    "tpu.region"() ({
      %run_scoped3A = tpu.sem_alloc : memref<!tpu.dma_semaphore, #tpu.memory_space<semaphore_mem>>
      tpu.enqueue_dma source(%arg8 : memref<16xi32, #tpu.memory_space<hbm>>) target(%arg17 : memref<16xi32, #tpu.memory_space<vmem>>) target_semaphore(%run_scoped3A : memref<!tpu.dma_semaphore, #tpu.memory_space<semaphore_mem>>)
      tpu.wait_dma2 semaphore(%run_scoped3A : memref<!tpu.dma_semaphore, #tpu.memory_space<semaphore_mem>>) src(%arg8 : memref<16xi32, #tpu.memory_space<hbm>>) dst(%arg17 : memref<16xi32, #tpu.memory_space<vmem>>)
      tpu.yield
    }) : () -> ()
    "tpu.region"() ({
      %run_scoped3A = tpu.sem_alloc : memref<!tpu.dma_semaphore, #tpu.memory_space<semaphore_mem>>
      %dma_start3A_25 = tpu.memref_slice %arg3[%mul3A_2] : memref<512xi32, #tpu.memory_space<hbm>> -> memref<16xi32, #tpu.memory_space<hbm>>
      %dma_start3A_26 = tpu.memref_slice %arg3[%mul3A_2] : memref<512xi32, #tpu.memory_space<hbm>> -> memref<16xi32, #tpu.memory_space<hbm>>
      tpu.enqueue_dma source(%dma_start3A_26 : memref<16xi32, #tpu.memory_space<hbm>>) target(%arg11 : memref<16xi32, #tpu.memory_space<vmem>>) target_semaphore(%run_scoped3A : memref<!tpu.dma_semaphore, #tpu.memory_space<semaphore_mem>>)
      %dma_wait3A_27 = tpu.memref_slice %arg3[%mul3A_2] : memref<512xi32, #tpu.memory_space<hbm>> -> memref<16xi32, #tpu.memory_space<hbm>>
      %dma_wait3A_28 = tpu.memref_slice %arg3[%mul3A_2] : memref<512xi32, #tpu.memory_space<hbm>> -> memref<16xi32, #tpu.memory_space<hbm>>
      tpu.wait_dma2 semaphore(%run_scoped3A : memref<!tpu.dma_semaphore, #tpu.memory_space<semaphore_mem>>) src(%dma_wait3A_28 : memref<16xi32, #tpu.memory_space<hbm>>) dst(%arg11 : memref<16xi32, #tpu.memory_space<vmem>>)
      tpu.yield
    }) : () -> ()
    %dma_start3A = arith.constant 0 : i32
    %dma_start3A_3 = tpu.memref_slice %arg5[%dma_start3A] : memref<8192xi32, #tpu.memory_space<hbm>> -> memref<8192xi32, #tpu.memory_space<hbm>>
    tpu.enqueue_indirect_dma source(%dma_start3A_3 : memref<8192xi32, #tpu.memory_space<hbm>>) target(%arg12 : memref<16xi32, #tpu.memory_space<vmem>>) offsets(%arg11 : memref<16xi32, #tpu.memory_space<vmem>>) semaphore(%arg23 : memref<!tpu.dma_semaphore, #tpu.memory_space<semaphore_mem>>)
    %dma_wait3A = arith.constant 0 : i32
    %dma_wait3A_4 = tpu.memref_slice %arg5[%dma_wait3A] : memref<8192xi32, #tpu.memory_space<hbm>> -> memref<8192xi32, #tpu.memory_space<hbm>>
    tpu.wait_indirect_dma semaphore(%arg23 : memref<!tpu.dma_semaphore, #tpu.memory_space<semaphore_mem>>) src(%dma_wait3A_4 : memref<8192xi32, #tpu.memory_space<hbm>>) dst(%arg12 : memref<16xi32, #tpu.memory_space<vmem>>)
    %get3A = arith.constant 0 : index
    %get3A_5 = tpu.vector_load %arg12[%get3A] {strides = array<i32>} : memref<16xi32, #tpu.memory_space<vmem>>, vector<16xi32>,
    %sub3A = arith.constant 1 : i32
    %sub3A_6 = vector.broadcast %sub3A : i32 to vector<16xi32>
    %sub3A_7 = arith.subi %get3A_5, %sub3A_6 : vector<16xi32>
    %swap3A = arith.constant 0 : index
    %swap3A_8 = tpu.vector_load %arg12[%swap3A] {strides = array<i32>} : memref<16xi32, #tpu.memory_space<vmem>>, vector<16xi32>,
    tpu.vector_store %arg12[%swap3A], %sub3A_7 {strides = array<i32>} : memref<16xi32, #tpu.memory_space<vmem>>, vector<16xi32>,
    "tpu.region"() ({
      %run_scoped3A = tpu.sem_alloc : memref<!tpu.dma_semaphore, #tpu.memory_space<semaphore_mem>>
      %dma_start3A_25 = tpu.memref_slice %arg4[%mul3A_2] : memref<512xi32, #tpu.memory_space<hbm>> -> memref<16xi32, #tpu.memory_space<hbm>>
      %dma_start3A_26 = tpu.memref_slice %arg4[%mul3A_2] : memref<512xi32, #tpu.memory_space<hbm>> -> memref<16xi32, #tpu.memory_space<hbm>>
      tpu.enqueue_dma source(%dma_start3A_26 : memref<16xi32, #tpu.memory_space<hbm>>) target(%arg11 : memref<16xi32, #tpu.memory_space<vmem>>) target_semaphore(%run_scoped3A : memref<!tpu.dma_semaphore, #tpu.memory_space<semaphore_mem>>)
      %dma_wait3A_27 = tpu.memref_slice %arg4[%mul3A_2] : memref<512xi32, #tpu.memory_space<hbm>> -> memref<16xi32, #tpu.memory_space<hbm>>
      %dma_wait3A_28 = tpu.memref_slice %arg4[%mul3A_2] : memref<512xi32, #tpu.memory_space<hbm>> -> memref<16xi32, #tpu.memory_space<hbm>>
      tpu.wait_dma2 semaphore(%run_scoped3A : memref<!tpu.dma_semaphore, #tpu.memory_space<semaphore_mem>>) src(%dma_wait3A_28 : memref<16xi32, #tpu.memory_space<hbm>>) dst(%arg11 : memref<16xi32, #tpu.memory_space<vmem>>)
      tpu.yield
    }) : () -> ()
    %get3A_9 = arith.constant 0 : index
    %get3A_10 = tpu.vector_load %arg11[%get3A_9] {strides = array<i32>} : memref<16xi32, #tpu.memory_space<vmem>>, vector<16xi32>,
    %get3A_11 = arith.constant 0 : index
    %get3A_12 = tpu.vector_load %arg17[%get3A_11] {strides = array<i32>} : memref<16xi32, #tpu.memory_space<vmem>>, vector<16xi32>,
    %iota3A = tpu.iota {dimensions = array<i32: 0>} : vector<16xi32>
    %add3A_13 = vector.broadcast %mul3A_2 : i32 to vector<16xi32>
    %add3A_14 = arith.addi %add3A_13, %iota3A : vector<16xi32>
    %swap3A_15 = arith.constant 0 : index
    %swap3A_16 = tpu.vector_load %arg18[%swap3A_15] {strides = array<i32>} : memref<16xi32, #tpu.memory_space<vmem>>, vector<16xi32>,
    tpu.vector_store %arg18[%swap3A_15], %get3A_10 {strides = array<i32>} : memref<16xi32, #tpu.memory_space<vmem>>, vector<16xi32>,
    %scan3A = arith.constant 0 : i32
    %scan3A_17 = arith.constant 4 : i32
    %scan3A_18 = arith.addi %scan3A, %scan3A_17 : i32
    %scan3A_19 = arith.constant 1 : i32
    scf.for %scan3A_25 = %scan3A to %scan3A_18 step %scan3A_19  : i32 {
      %mul3A_26 = arith.constant 1 : i32
      %mul3A_27 = arith.muli %scan3A_25, %mul3A_26 : i32
      %add3A_28 = arith.constant 0 : i32
      %add3A_29 = arith.addi %add3A_28, %mul3A_27 : i32
      %dma_start3A_30 = arith.constant 0 : i32
      %dma_start3A_31 = arith.constant 0 : i32
      %dma_start3A_32 = tpu.memref_slice %arg7[%dma_start3A_30, %dma_start3A_31] : memref<4096x16xi32, #tpu.memory_space<hbm>> -> memref<4096x16xi32, #tpu.memory_space<hbm>>
      tpu.enqueue_indirect_dma source(%dma_start3A_32 : memref<4096x16xi32, #tpu.memory_space<hbm>>) target(%arg13 : memref<16x16xi32, #tpu.memory_space<vmem>>) offsets(%arg12 : memref<16xi32, #tpu.memory_space<vmem>>) semaphore(%arg23 : memref<!tpu.dma_semaphore, #tpu.memory_space<semaphore_mem>>)
      %dma_wait3A_33 = arith.constant 0 : i32
      %dma_wait3A_34 = arith.constant 0 : i32
      %dma_wait3A_35 = tpu.memref_slice %arg7[%dma_wait3A_33, %dma_wait3A_34] : memref<4096x16xi32, #tpu.memory_space<hbm>> -> memref<4096x16xi32, #tpu.memory_space<hbm>>
      tpu.wait_indirect_dma semaphore(%arg23 : memref<!tpu.dma_semaphore, #tpu.memory_space<semaphore_mem>>) src(%dma_wait3A_35 : memref<4096x16xi32, #tpu.memory_space<hbm>>) dst(%arg13 : memref<16x16xi32, #tpu.memory_space<vmem>>)
      %get3A_36 = arith.constant 0 : index
      %get3A_37 = tpu.vector_load %arg18[%get3A_36] {strides = array<i32>} : memref<16xi32, #tpu.memory_space<vmem>>, vector<16xi32>,
      %scan3A_38 = arith.constant 0 : i32
      %scan3A_39 = arith.constant 16 : i32
      %scan3A_40 = arith.addi %scan3A_38, %scan3A_39 : i32
      %scan3A_41 = arith.constant 1 : i32
      scf.for %scan3A_119 = %scan3A_38 to %scan3A_40 step %scan3A_41  : i32 {
        %mul3A_120 = arith.constant 1 : i32
        %mul3A_121 = arith.muli %scan3A_119, %mul3A_120 : i32
        %add3A_122 = arith.constant 0 : i32
        %add3A_123 = arith.addi %add3A_122, %mul3A_121 : i32
        %broadcast_in_dim3A_124 = vector.broadcast %add3A_123 : i32 to vector<16xi32>
        %gather3A = tpu.vector_load_idx %arg13[%iota3A, %broadcast_in_dim3A_124] : memref<16x16xi32, #tpu.memory_space<vmem>>[vector<16xi32>, vector<16xi32>], vector<16xi32>,
        %eq3A_125 = arith.constant 8192 : i32
        %eq3A_126 = vector.broadcast %eq3A_125 : i32 to vector<16xi32>
        %eq3A_127 = arith.cmpi eq, %gather3A, %eq3A_126 : vector<16xi32>
        %eq3A_128 = arith.cmpi eq, %gather3A, %get3A_37 : vector<16xi32>
        %or3A = arith.ori %eq3A_127, %eq3A_128 : vector<16xi1>
        %jit3A_129 = arith.constant 8192 : i32
        %broadcast_in_dim3A_130 = vector.broadcast %jit3A_129 : i32 to vector<16xi32>
        %select_n3A_131 = arith.select %or3A, %broadcast_in_dim3A_130, %gather3A : vector<16xi1>, vector<16xi32>
        %shift_right_arithmetic3A = arith.constant 3 : i32
        %shift_right_arithmetic3A_132 = arith.shrsi %add3A_123, %shift_right_arithmetic3A : i32
        %and3A = arith.constant 7 : i32
        %and3A_133 = arith.andi %add3A_123, %and3A : i32
        %mul3A_134 = arith.constant 16 : i32
        %mul3A_135 = arith.muli %and3A_133, %mul3A_134 : i32
        %swap3A_136 = arith.index_cast %shift_right_arithmetic3A_132 : i32 to index
        %swap3A_137 = arith.index_cast %mul3A_135 : i32 to index
        %swap3A_138 = tpu.vector_load %arg16[%swap3A_136, %swap3A_137] {strides = array<i32>} : memref<2x128xi32, #tpu.memory_space<vmem>>, vector<16xi32>,
        tpu.vector_store %arg16[%swap3A_136, %swap3A_137], %select_n3A_131 {strides = array<i32>} : memref<2x128xi32, #tpu.memory_space<vmem>>, vector<16xi32>,
        %mul3A_139 = arith.constant 8192 : i32
        %mul3A_140 = arith.muli %add3A_29, %mul3A_139 : i32
        %jit3A_141 = arith.constant 0 : i32
        %broadcast_in_dim3A_142 = vector.broadcast %jit3A_141 : i32 to vector<16xi32>
        %select_n3A_143 = arith.select %or3A, %broadcast_in_dim3A_142, %gather3A : vector<16xi1>, vector<16xi32>
        %add3A_144 = vector.broadcast %mul3A_140 : i32 to vector<16xi32>
        %add3A_145 = arith.addi %add3A_144, %select_n3A_143 : vector<16xi32>
        %shift_right_arithmetic3A_146 = arith.constant 3 : i32
        %shift_right_arithmetic3A_147 = vector.broadcast %shift_right_arithmetic3A_146 : i32 to vector<16xi32>
        %shift_right_arithmetic3A_148 = arith.shrsi %add3A_14, %shift_right_arithmetic3A_147 : vector<16xi32>
        %shift_left3A = arith.constant 18 : i32
        %shift_left3A_149 = vector.broadcast %shift_left3A : i32 to vector<16xi32>
        %shift_left3A_150 = arith.shli %shift_right_arithmetic3A_148, %shift_left3A_149 : vector<16xi32>
        %shift_right_arithmetic3A_151 = arith.constant 7 : i32
        %shift_right_arithmetic3A_152 = vector.broadcast %shift_right_arithmetic3A_151 : i32 to vector<16xi32>
        %shift_right_arithmetic3A_153 = arith.shrsi %add3A_145, %shift_right_arithmetic3A_152 : vector<16xi32>
        %shift_left3A_154 = arith.constant 10 : i32
        %shift_left3A_155 = vector.broadcast %shift_left3A_154 : i32 to vector<16xi32>
        %shift_left3A_156 = arith.shli %shift_right_arithmetic3A_153, %shift_left3A_155 : vector<16xi32>
        %or3A_157 = arith.ori %shift_left3A_150, %shift_left3A_156 : vector<16xi32>
        %and3A_158 = arith.constant 7 : i32
        %and3A_159 = vector.broadcast %and3A_158 : i32 to vector<16xi32>
        %and3A_160 = arith.andi %add3A_14, %and3A_159 : vector<16xi32>
        %shift_left3A_161 = arith.constant 7 : i32
        %shift_left3A_162 = vector.broadcast %shift_left3A_161 : i32 to vector<16xi32>
        %shift_left3A_163 = arith.shli %and3A_160, %shift_left3A_162 : vector<16xi32>
        %or3A_164 = arith.ori %or3A_157, %shift_left3A_163 : vector<16xi32>
        %and3A_165 = arith.constant 127 : i32
        %and3A_166 = vector.broadcast %and3A_165 : i32 to vector<16xi32>
        %and3A_167 = arith.andi %add3A_145, %and3A_166 : vector<16xi32>
        %or3A_168 = arith.ori %or3A_164, %and3A_167 : vector<16xi32>
        %swap3A_169 = arith.index_cast %shift_right_arithmetic3A_132 : i32 to index
        %swap3A_170 = arith.index_cast %mul3A_135 : i32 to index
        %swap3A_171 = tpu.vector_load %arg14[%swap3A_169, %swap3A_170] {strides = array<i32>} : memref<2x128xi32, #tpu.memory_space<vmem>>, vector<16xi32>,
        tpu.vector_store %arg14[%swap3A_169, %swap3A_170], %or3A_168 {strides = array<i32>} : memref<2x128xi32, #tpu.memory_space<vmem>>, vector<16xi32>,
      }
      %scan3A_42 = arith.constant 16 : i32
      %dma_start3A_43 = arith.constant 0 : i32
      %dma_start3A_44 = arith.constant 0 : i32
      %dma_start3A_45 = arith.constant 0 : i32
      %dma_start3A_46 = tpu.memref_slice %arg15[%dma_start3A_44, %dma_start3A_45] : memref<2x128xf32, #tpu.memory_space<vmem>> -> memref<1x128xf32, #tpu.memory_space<vmem>>
      %dma_start3A_47 = tpu.memref_squeeze %dma_start3A_46 : memref<1x128xf32, #tpu.memory_space<vmem>> -> memref<128xf32, #tpu.memory_space<vmem>>
      %dma_start3A_48 = arith.constant 0 : i32
      %dma_start3A_49 = tpu.memref_slice %arg14[%dma_start3A_43, %dma_start3A_48] : memref<2x128xi32, #tpu.memory_space<vmem>> -> memref<1x128xi32, #tpu.memory_space<vmem>>
      %dma_start3A_50 = tpu.memref_squeeze %dma_start3A_49 : memref<1x128xi32, #tpu.memory_space<vmem>> -> memref<128xi32, #tpu.memory_space<vmem>>
      %dma_start3A_51 = arith.constant 0 : i32
      %dma_start3A_52 = tpu.memref_slice %arg2[%dma_start3A_51] : memref<16777216xf32, #tpu.memory_space<hbm>> -> memref<16777216xf32, #tpu.memory_space<hbm>>
      tpu.enqueue_indirect_dma source(%dma_start3A_52 : memref<16777216xf32, #tpu.memory_space<hbm>>) target(%dma_start3A_47 : memref<128xf32, #tpu.memory_space<vmem>>) offsets(%dma_start3A_50 : memref<128xi32, #tpu.memory_space<vmem>>) semaphore(%arg23 : memref<!tpu.dma_semaphore, #tpu.memory_space<semaphore_mem>>)
      %dma_start3A_53 = arith.constant 1 : i32
      %dma_start3A_54 = arith.constant 1 : i32
      %dma_start3A_55 = arith.constant 0 : i32
      %dma_start3A_56 = tpu.memref_slice %arg15[%dma_start3A_54, %dma_start3A_55] : memref<2x128xf32, #tpu.memory_space<vmem>> -> memref<1x128xf32, #tpu.memory_space<vmem>>
      %dma_start3A_57 = tpu.memref_squeeze %dma_start3A_56 : memref<1x128xf32, #tpu.memory_space<vmem>> -> memref<128xf32, #tpu.memory_space<vmem>>
      %dma_start3A_58 = arith.constant 0 : i32
      %dma_start3A_59 = tpu.memref_slice %arg14[%dma_start3A_53, %dma_start3A_58] : memref<2x128xi32, #tpu.memory_space<vmem>> -> memref<1x128xi32, #tpu.memory_space<vmem>>
      %dma_start3A_60 = tpu.memref_squeeze %dma_start3A_59 : memref<1x128xi32, #tpu.memory_space<vmem>> -> memref<128xi32, #tpu.memory_space<vmem>>
      %dma_start3A_61 = arith.constant 0 : i32
      %dma_start3A_62 = tpu.memref_slice %arg2[%dma_start3A_61] : memref<16777216xf32, #tpu.memory_space<hbm>> -> memref<16777216xf32, #tpu.memory_space<hbm>>
      tpu.enqueue_indirect_dma source(%dma_start3A_62 : memref<16777216xf32, #tpu.memory_space<hbm>>) target(%dma_start3A_57 : memref<128xf32, #tpu.memory_space<vmem>>) offsets(%dma_start3A_60 : memref<128xi32, #tpu.memory_space<vmem>>) semaphore(%arg24 : memref<!tpu.dma_semaphore, #tpu.memory_space<semaphore_mem>>)
      %dma_wait3A_63 = arith.constant 0 : i32
      %dma_wait3A_64 = arith.constant 0 : i32
      %dma_wait3A_65 = arith.constant 0 : i32
      %dma_wait3A_66 = tpu.memref_slice %arg15[%dma_wait3A_64, %dma_wait3A_65] : memref<2x128xf32, #tpu.memory_space<vmem>> -> memref<1x128xf32, #tpu.memory_space<vmem>>
      %dma_wait3A_67 = tpu.memref_squeeze %dma_wait3A_66 : memref<1x128xf32, #tpu.memory_space<vmem>> -> memref<128xf32, #tpu.memory_space<vmem>>
      %dma_wait3A_68 = arith.constant 0 : i32
      %dma_wait3A_69 = tpu.memref_slice %arg14[%dma_wait3A_63, %dma_wait3A_68] : memref<2x128xi32, #tpu.memory_space<vmem>> -> memref<1x128xi32, #tpu.memory_space<vmem>>
      %dma_wait3A_70 = tpu.memref_squeeze %dma_wait3A_69 : memref<1x128xi32, #tpu.memory_space<vmem>> -> memref<128xi32, #tpu.memory_space<vmem>>
      %dma_wait3A_71 = arith.constant 0 : i32
      %dma_wait3A_72 = tpu.memref_slice %arg2[%dma_wait3A_71] : memref<16777216xf32, #tpu.memory_space<hbm>> -> memref<16777216xf32, #tpu.memory_space<hbm>>
      tpu.wait_indirect_dma semaphore(%arg23 : memref<!tpu.dma_semaphore, #tpu.memory_space<semaphore_mem>>) src(%dma_wait3A_72 : memref<16777216xf32, #tpu.memory_space<hbm>>) dst(%dma_wait3A_67 : memref<128xf32, #tpu.memory_space<vmem>>)
      %dma_wait3A_73 = arith.constant 1 : i32
      %dma_wait3A_74 = arith.constant 1 : i32
      %dma_wait3A_75 = arith.constant 0 : i32
      %dma_wait3A_76 = tpu.memref_slice %arg15[%dma_wait3A_74, %dma_wait3A_75] : memref<2x128xf32, #tpu.memory_space<vmem>> -> memref<1x128xf32, #tpu.memory_space<vmem>>
      %dma_wait3A_77 = tpu.memref_squeeze %dma_wait3A_76 : memref<1x128xf32, #tpu.memory_space<vmem>> -> memref<128xf32, #tpu.memory_space<vmem>>
      %dma_wait3A_78 = arith.constant 0 : i32
      %dma_wait3A_79 = tpu.memref_slice %arg14[%dma_wait3A_73, %dma_wait3A_78] : memref<2x128xi32, #tpu.memory_space<vmem>> -> memref<1x128xi32, #tpu.memory_space<vmem>>
      %dma_wait3A_80 = tpu.memref_squeeze %dma_wait3A_79 : memref<1x128xi32, #tpu.memory_space<vmem>> -> memref<128xi32, #tpu.memory_space<vmem>>
      %dma_wait3A_81 = arith.constant 0 : i32
      %dma_wait3A_82 = tpu.memref_slice %arg2[%dma_wait3A_81] : memref<16777216xf32, #tpu.memory_space<hbm>> -> memref<16777216xf32, #tpu.memory_space<hbm>>
      tpu.wait_indirect_dma semaphore(%arg24 : memref<!tpu.dma_semaphore, #tpu.memory_space<semaphore_mem>>) src(%dma_wait3A_82 : memref<16777216xf32, #tpu.memory_space<hbm>>) dst(%dma_wait3A_77 : memref<128xf32, #tpu.memory_space<vmem>>)
      %get3A_83 = arith.constant 0 : i32
      %get3A_84 = arith.index_cast %get3A_83 : i32 to index
      %get3A_85 = arith.constant 0 : index
      %get3A_86 = tpu.vector_load %arg16[%get3A_84, %get3A_85] {strides = array<i32>} : memref<2x128xi32, #tpu.memory_space<vmem>>, vector<16xi32>,
      %get3A_87 = arith.constant 0 : i32
      %get3A_88 = arith.index_cast %get3A_87 : i32 to index
      %get3A_89 = arith.constant 0 : index
      %get3A_90 = tpu.vector_load %arg15[%get3A_88, %get3A_89] {strides = array<i32>} : memref<2x128xf32, #tpu.memory_space<vmem>>, vector<16xf32>,
      %swap3A_91 = arith.constant 0 : index
      %swap3A_92 = tpu.vector_load %arg20[%swap3A_91] {strides = array<i32>} : memref<16xi32, #tpu.memory_space<vmem>>, vector<16xi32>,
      tpu.vector_store %arg20[%swap3A_91], %get3A_86 {strides = array<i32>} : memref<16xi32, #tpu.memory_space<vmem>>, vector<16xi32>,
      %eq3A = arith.constant 8192 : i32
      %eq3A_93 = vector.broadcast %eq3A : i32 to vector<16xi32>
      %eq3A_94 = arith.cmpi eq, %get3A_86, %eq3A_93 : vector<16xi32>
      %jit3A = arith.constant 0xFF800000 : f32
      %broadcast_in_dim3A = vector.broadcast %jit3A : f32 to vector<16xf32>
      %select_n3A = arith.select %eq3A_94, %broadcast_in_dim3A, %get3A_90 : vector<16xi1>, vector<16xf32>
      %swap3A_95 = arith.constant 0 : index
      %swap3A_96 = tpu.vector_load %arg19[%swap3A_95] {strides = array<i32>} : memref<16xf32, #tpu.memory_space<vmem>>, vector<16xf32>,
      tpu.vector_store %arg19[%swap3A_95], %select_n3A {strides = array<i32>} : memref<16xf32, #tpu.memory_space<vmem>>, vector<16xf32>,
      %scan3A_97 = arith.constant 0 : i32
      %scan3A_98 = arith.constant 15 : i32
      %scan3A_99 = arith.addi %scan3A_97, %scan3A_98 : i32
      %scan3A_100 = arith.constant 1 : i32
      scf.for %scan3A_119 = %scan3A_97 to %scan3A_99 step %scan3A_100  : i32 {
        %mul3A_120 = arith.constant 1 : i32
        %mul3A_121 = arith.muli %scan3A_119, %mul3A_120 : i32
        %add3A_122 = arith.constant 1 : i32
        %add3A_123 = arith.addi %add3A_122, %mul3A_121 : i32
        %shift_right_arithmetic3A = arith.constant 3 : i32
        %shift_right_arithmetic3A_124 = arith.shrsi %add3A_123, %shift_right_arithmetic3A : i32
        %and3A = arith.constant 7 : i32
        %and3A_125 = arith.andi %add3A_123, %and3A : i32
        %mul3A_126 = arith.constant 16 : i32
        %mul3A_127 = arith.muli %and3A_125, %mul3A_126 : i32
        %get3A_128 = arith.index_cast %shift_right_arithmetic3A_124 : i32 to index
        %get3A_129 = arith.index_cast %mul3A_127 : i32 to index
        %get3A_130 = tpu.vector_load %arg16[%get3A_128, %get3A_129] {strides = array<i32>} : memref<2x128xi32, #tpu.memory_space<vmem>>, vector<16xi32>,
        %get3A_131 = arith.index_cast %shift_right_arithmetic3A_124 : i32 to index
        %get3A_132 = arith.index_cast %mul3A_127 : i32 to index
        %get3A_133 = tpu.vector_load %arg15[%get3A_131, %get3A_132] {strides = array<i32>} : memref<2x128xf32, #tpu.memory_space<vmem>>, vector<16xf32>,
        %eq3A_134 = arith.constant 8192 : i32
        %eq3A_135 = vector.broadcast %eq3A_134 : i32 to vector<16xi32>
        %eq3A_136 = arith.cmpi eq, %get3A_130, %eq3A_135 : vector<16xi32>
        %jit3A_137 = arith.constant 0xFF800000 : f32
        %broadcast_in_dim3A_138 = vector.broadcast %jit3A_137 : f32 to vector<16xf32>
        %select_n3A_139 = arith.select %eq3A_136, %broadcast_in_dim3A_138, %get3A_133 : vector<16xi1>, vector<16xf32>
        %get3A_140 = arith.constant 0 : index
        %get3A_141 = tpu.vector_load %arg19[%get3A_140] {strides = array<i32>} : memref<16xf32, #tpu.memory_space<vmem>>, vector<16xf32>,
        %gt3A = arith.cmpf ogt, %select_n3A_139, %get3A_141 : vector<16xf32>
        %select_n3A_142 = arith.select %gt3A, %select_n3A_139, %get3A_141 : vector<16xi1>, vector<16xf32>
        %swap3A_143 = arith.constant 0 : index
        %swap3A_144 = tpu.vector_load %arg19[%swap3A_143] {strides = array<i32>} : memref<16xf32, #tpu.memory_space<vmem>>, vector<16xf32>,
        tpu.vector_store %arg19[%swap3A_143], %select_n3A_142 {strides = array<i32>} : memref<16xf32, #tpu.memory_space<vmem>>, vector<16xf32>,
        %get3A_145 = arith.constant 0 : index
        %get3A_146 = tpu.vector_load %arg20[%get3A_145] {strides = array<i32>} : memref<16xi32, #tpu.memory_space<vmem>>, vector<16xi32>,
        %select_n3A_147 = arith.select %gt3A, %get3A_130, %get3A_146 : vector<16xi1>, vector<16xi32>
        %swap3A_148 = arith.constant 0 : index
        %swap3A_149 = tpu.vector_load %arg20[%swap3A_148] {strides = array<i32>} : memref<16xi32, #tpu.memory_space<vmem>>, vector<16xi32>,
        tpu.vector_store %arg20[%swap3A_148], %select_n3A_147 {strides = array<i32>} : memref<16xi32, #tpu.memory_space<vmem>>, vector<16xi32>,
      }
      %scan3A_101 = arith.constant 15 : i32
      %get3A_102 = arith.constant 0 : index
      %get3A_103 = tpu.vector_load %arg20[%get3A_102] {strides = array<i32>} : memref<16xi32, #tpu.memory_space<vmem>>, vector<16xi32>,
      %eq3A_104 = arith.constant 8192 : i32
      %eq3A_105 = vector.broadcast %eq3A_104 : i32 to vector<16xi32>
      %eq3A_106 = arith.cmpi eq, %get3A_103, %eq3A_105 : vector<16xi32>
      %select_n3A_107 = arith.select %eq3A_106, %get3A_12, %get3A_103 : vector<16xi1>, vector<16xi32>
      %mul3A_108 = arith.constant 4 : i32
      %mul3A_109 = vector.broadcast %mul3A_108 : i32 to vector<16xi32>
      %mul3A_110 = arith.muli %iota3A, %mul3A_109 : vector<16xi32>
      %add3A_111 = vector.broadcast %add3A_29 : i32 to vector<16xi32>
      %add3A_112 = arith.addi %mul3A_110, %add3A_111 : vector<16xi32>
      tpu.vector_store_idx %arg21[%add3A_112], %select_n3A_107 : memref<64xi32, #tpu.memory_space<vmem>>[vector<16xi32>], vector<16xi32>,
      %get3A_113 = arith.constant 0 : index
      %get3A_114 = tpu.vector_load %arg19[%get3A_113] {strides = array<i32>} : memref<16xf32, #tpu.memory_space<vmem>>, vector<16xf32>,
      tpu.vector_store_idx %arg22[%add3A_112], %get3A_114 : memref<64xf32, #tpu.memory_space<vmem>>[vector<16xi32>], vector<16xf32>,
      %swap3A_115 = arith.constant 0 : index
      %swap3A_116 = tpu.vector_load %arg18[%swap3A_115] {strides = array<i32>} : memref<16xi32, #tpu.memory_space<vmem>>, vector<16xi32>,
      tpu.vector_store %arg18[%swap3A_115], %select_n3A_107 {strides = array<i32>} : memref<16xi32, #tpu.memory_space<vmem>>, vector<16xi32>,
      %ne3A = arith.constant 3 : i32
      %ne3A_117 = arith.cmpi ne, %add3A_29, %ne3A : i32
      %convert_element_type3A = arith.extui %ne3A_117 : i1 to i32
      %cond3A = arith.constant 0 : i32
      %cond3A_118 = arith.cmpi ne, %convert_element_type3A, %cond3A : i32
      scf.if %cond3A_118 {
        %swap3A_119 = arith.constant 0 : index
        %swap3A_120 = tpu.vector_load %arg11[%swap3A_119] {strides = array<i32>} : memref<16xi32, #tpu.memory_space<vmem>>, vector<16xi32>,
        tpu.vector_store %arg11[%swap3A_119], %select_n3A_107 {strides = array<i32>} : memref<16xi32, #tpu.memory_space<vmem>>, vector<16xi32>,
        %dma_start3A_121 = arith.constant 0 : i32
        %dma_start3A_122 = tpu.memref_slice %arg6[%dma_start3A_121] : memref<8192xi32, #tpu.memory_space<hbm>> -> memref<8192xi32, #tpu.memory_space<hbm>>
        tpu.enqueue_indirect_dma source(%dma_start3A_122 : memref<8192xi32, #tpu.memory_space<hbm>>) target(%arg12 : memref<16xi32, #tpu.memory_space<vmem>>) offsets(%arg11 : memref<16xi32, #tpu.memory_space<vmem>>) semaphore(%arg23 : memref<!tpu.dma_semaphore, #tpu.memory_space<semaphore_mem>>)
        %dma_wait3A_123 = arith.constant 0 : i32
        %dma_wait3A_124 = tpu.memref_slice %arg6[%dma_wait3A_123] : memref<8192xi32, #tpu.memory_space<hbm>> -> memref<8192xi32, #tpu.memory_space<hbm>>
        tpu.wait_indirect_dma semaphore(%arg23 : memref<!tpu.dma_semaphore, #tpu.memory_space<semaphore_mem>>) src(%dma_wait3A_124 : memref<8192xi32, #tpu.memory_space<hbm>>) dst(%arg12 : memref<16xi32, #tpu.memory_space<vmem>>)
        %get3A_125 = arith.constant 0 : index
        %get3A_126 = tpu.vector_load %arg12[%get3A_125] {strides = array<i32>} : memref<16xi32, #tpu.memory_space<vmem>>, vector<16xi32>,
        %sub3A_127 = arith.constant 1 : i32
        %sub3A_128 = vector.broadcast %sub3A_127 : i32 to vector<16xi32>
        %sub3A_129 = arith.subi %get3A_126, %sub3A_128 : vector<16xi32>
        %swap3A_130 = arith.constant 0 : index
        %swap3A_131 = tpu.vector_load %arg12[%swap3A_130] {strides = array<i32>} : memref<16xi32, #tpu.memory_space<vmem>>, vector<16xi32>,
        tpu.vector_store %arg12[%swap3A_130], %sub3A_129 {strides = array<i32>} : memref<16xi32, #tpu.memory_space<vmem>>, vector<16xi32>,
      } else {
      }
    }
    %scan3A_20 = arith.constant 4 : i32
    %mul3A_21 = arith.constant 4 : i32
    %mul3A_22 = arith.muli %mul3A_2, %mul3A_21 : i32
    "tpu.region"() ({
      %run_scoped3A = tpu.sem_alloc : memref<!tpu.dma_semaphore, #tpu.memory_space<semaphore_mem>>
      %dma_start3A_25 = tpu.memref_slice %arg9[%mul3A_22] : memref<2048xi32, #tpu.memory_space<hbm>> -> memref<64xi32, #tpu.memory_space<hbm>>
      %dma_start3A_26 = tpu.memref_slice %arg9[%mul3A_22] : memref<2048xi32, #tpu.memory_space<hbm>> -> memref<64xi32, #tpu.memory_space<hbm>>
      tpu.enqueue_dma source(%arg21 : memref<64xi32, #tpu.memory_space<vmem>>) target(%dma_start3A_26 : memref<64xi32, #tpu.memory_space<hbm>>) target_semaphore(%run_scoped3A : memref<!tpu.dma_semaphore, #tpu.memory_space<semaphore_mem>>)
      %dma_wait3A_27 = tpu.memref_slice %arg9[%mul3A_22] : memref<2048xi32, #tpu.memory_space<hbm>> -> memref<64xi32, #tpu.memory_space<hbm>>
      %dma_wait3A_28 = tpu.memref_slice %arg9[%mul3A_22] : memref<2048xi32, #tpu.memory_space<hbm>> -> memref<64xi32, #tpu.memory_space<hbm>>
      tpu.wait_dma2 semaphore(%run_scoped3A : memref<!tpu.dma_semaphore, #tpu.memory_space<semaphore_mem>>) src(%arg21 : memref<64xi32, #tpu.memory_space<vmem>>) dst(%dma_wait3A_28 : memref<64xi32, #tpu.memory_space<hbm>>)
      tpu.yield
    }) : () -> ()
    %mul3A_23 = arith.constant 4 : i32
    %mul3A_24 = arith.muli %mul3A_2, %mul3A_23 : i32
    "tpu.region"() ({
      %run_scoped3A = tpu.sem_alloc : memref<!tpu.dma_semaphore, #tpu.memory_space<semaphore_mem>>
      %dma_start3A_25 = tpu.memref_slice %arg10[%mul3A_24] : memref<2048xf32, #tpu.memory_space<hbm>> -> memref<64xf32, #tpu.memory_space<hbm>>
      %dma_start3A_26 = tpu.memref_slice %arg10[%mul3A_24] : memref<2048xf32, #tpu.memory_space<hbm>> -> memref<64xf32, #tpu.memory_space<hbm>>
      tpu.enqueue_dma source(%arg22 : memref<64xf32, #tpu.memory_space<vmem>>) target(%dma_start3A_26 : memref<64xf32, #tpu.memory_space<hbm>>) target_semaphore(%run_scoped3A : memref<!tpu.dma_semaphore, #tpu.memory_space<semaphore_mem>>)
      %dma_wait3A_27 = tpu.memref_slice %arg10[%mul3A_24] : memref<2048xf32, #tpu.memory_space<hbm>> -> memref<64xf32, #tpu.memory_space<hbm>>
      %dma_wait3A_28 = tpu.memref_slice %arg10[%mul3A_24] : memref<2048xf32, #tpu.memory_space<hbm>> -> memref<64xf32, #tpu.memory_space<hbm>>
      tpu.wait_dma2 semaphore(%run_scoped3A : memref<!tpu.dma_semaphore, #tpu.memory_space<semaphore_mem>>) src(%arg22 : memref<64xf32, #tpu.memory_space<vmem>>) dst(%dma_wait3A_28 : memref<64xf32, #tpu.memory_space<hbm>>)
      tpu.yield
    }) : () -> ()
    return
  }
}

module attributes {stable_mosaic.version = 14 : i64} {
  func.func @_tc_stats_body(%arg0: i32, %arg1: memref<64x32768xf32, #tpu.memory_space<vmem>>, %arg2: memref<64x32xf32, #tpu.memory_space<vmem>>, %arg3: memref<64x4xf32, #tpu.memory_space<vmem>>, %arg4: memref<64x4xf32, #tpu.memory_space<vmem>>, %arg5: memref<64x4xi32, #tpu.memory_space<vmem>>, %arg6: memref<64x4xf32, #tpu.memory_space<vmem>>) attributes {dimension_semantics = [#tpu.dimension_semantics<arbitrary>], iteration_bounds = array<i64: 8>, scalar_prefetch = 0 : i64, scratch_operands = 0 : i64, tpu.core_type = #tpu.core_type<tc>, window_params = [{transform_indices = @transform_0, window_bounds = array<i64: 64, 32768>}, {transform_indices = @transform_1, window_bounds = array<i64: 64, 32>}, {transform_indices = @transform_2, window_bounds = array<i64: 64, 4>}, {transform_indices = @transform_3, window_bounds = array<i64: 64, 4>}, {transform_indices = @transform_4, window_bounds = array<i64: 64, 4>}, {transform_indices = @transform_5, window_bounds = array<i64: 64, 4>}]} {
    %get3A = arith.constant 0 : index
    %get3A_0 = arith.constant 0 : index
    %get3A_1 = vector.load %arg1[%get3A, %get3A_0] : memref<64x32768xf32, #tpu.memory_space<vmem>>, vector<64x8192xf32>
    %reduce_max3A = arith.constant dense<0xFF800000> : vector<64xf32>
    %reduce_max3A_2 = vector.multi_reduction <maximumf>, %get3A_1, %reduce_max3A [1] : vector<64x8192xf32> to vector<64xf32>
    %broadcast_in_dim3A = vector.shape_cast %reduce_max3A_2 : vector<64xf32> to vector<64x1xf32>
    %sub3A = vector.broadcast %broadcast_in_dim3A : vector<64x1xf32> to vector<64x8192xf32>
    %sub3A_3 = arith.subf %get3A_1, %sub3A : vector<64x8192xf32>
    %exp3A = math.exp %sub3A_3 : vector<64x8192xf32>
    %reduce_sum3A = arith.constant dense<0.000000e+00> : vector<64xf32>
    %reduce_sum3A_4 = vector.multi_reduction <add>, %exp3A, %reduce_sum3A [1] : vector<64x8192xf32> to vector<64xf32>
    %log3A = math.log %reduce_sum3A_4 : vector<64xf32>
    %broadcast_in_dim3A_5 = vector.shape_cast %log3A : vector<64xf32> to vector<64x1xf32>
    %broadcast_in_dim3A_6 = vector.shape_cast %reduce_max3A_2 : vector<64xf32> to vector<64x1xf32>
    %get3A_7 = arith.constant 0 : index
    %get3A_8 = arith.constant 0 : index
    %get3A_9 = vector.load %arg2[%get3A_7, %get3A_8] : memref<64x32xf32, #tpu.memory_space<vmem>>, vector<64x8xf32>
    %reduce_max3A_10 = arith.constant dense<0xFF800000> : vector<64xf32>
    %reduce_max3A_11 = vector.multi_reduction <maximumf>, %get3A_9, %reduce_max3A_10 [1] : vector<64x8xf32> to vector<64xf32>
    %broadcast_in_dim3A_12 = vector.shape_cast %reduce_max3A_11 : vector<64xf32> to vector<64x1xf32>
    %sub3A_13 = vector.broadcast %broadcast_in_dim3A_12 : vector<64x1xf32> to vector<64x8xf32>
    %sub3A_14 = arith.subf %get3A_9, %sub3A_13 : vector<64x8xf32>
    %exp3A_15 = math.exp %sub3A_14 : vector<64x8xf32>
    %reduce_sum3A_16 = arith.constant dense<0.000000e+00> : vector<64xf32>
    %reduce_sum3A_17 = vector.multi_reduction <add>, %exp3A_15, %reduce_sum3A_16 [1] : vector<64x8xf32> to vector<64xf32>
    %log3A_18 = math.log %reduce_sum3A_17 : vector<64xf32>
    %broadcast_in_dim3A_19 = vector.shape_cast %log3A_18 : vector<64xf32> to vector<64x1xf32>
    %neg3A = arith.constant 0.000000e+00 : f32
    %neg3A_20 = vector.broadcast %neg3A : f32 to vector<64x1xf32>
    %neg3A_21 = arith.subf %neg3A_20, %broadcast_in_dim3A_19 : vector<64x1xf32>
    %iota3A = tpu.iota {dimensions = array<i32: 1>} : vector<64x8xi32>
    %broadcast_in_dim3A_22 = vector.shape_cast %reduce_max3A_11 : vector<64xf32> to vector<64x1xf32>
    %eq3A = vector.broadcast %broadcast_in_dim3A_22 : vector<64x1xf32> to vector<64x8xf32>
    %eq3A_23 = arith.cmpf oeq, %get3A_9, %eq3A : vector<64x8xf32>
    %jit3A = arith.constant 8 : i32
    %broadcast_in_dim3A_24 = vector.broadcast %jit3A : i32 to vector<64x8xi32>
    %select_n3A = arith.select %eq3A_23, %iota3A, %broadcast_in_dim3A_24 : vector<64x8xi1>, vector<64x8xi32>
    %reduce_min3A = arith.constant dense<2147483647> : vector<64xi32>
    %reduce_min3A_25 = vector.multi_reduction <minsi>, %select_n3A, %reduce_min3A [1] : vector<64x8xi32> to vector<64xi32>
    %broadcast_in_dim3A_26 = vector.shape_cast %reduce_min3A_25 : vector<64xi32> to vector<64x1xi32>
    %get3A_27 = arith.constant 0 : index
    %get3A_28 = arith.constant 8192 : index
    %get3A_29 = vector.load %arg1[%get3A_27, %get3A_28] : memref<64x32768xf32, #tpu.memory_space<vmem>>, vector<64x8192xf32>
    %reduce_max3A_30 = arith.constant dense<0xFF800000> : vector<64xf32>
    %reduce_max3A_31 = vector.multi_reduction <maximumf>, %get3A_29, %reduce_max3A_30 [1] : vector<64x8192xf32> to vector<64xf32>
    %broadcast_in_dim3A_32 = vector.shape_cast %reduce_max3A_31 : vector<64xf32> to vector<64x1xf32>
    %sub3A_33 = vector.broadcast %broadcast_in_dim3A_32 : vector<64x1xf32> to vector<64x8192xf32>
    %sub3A_34 = arith.subf %get3A_29, %sub3A_33 : vector<64x8192xf32>
    %exp3A_35 = math.exp %sub3A_34 : vector<64x8192xf32>
    %reduce_sum3A_36 = arith.constant dense<0.000000e+00> : vector<64xf32>
    %reduce_sum3A_37 = vector.multi_reduction <add>, %exp3A_35, %reduce_sum3A_36 [1] : vector<64x8192xf32> to vector<64xf32>
    %log3A_38 = math.log %reduce_sum3A_37 : vector<64xf32>
    %broadcast_in_dim3A_39 = vector.shape_cast %log3A_38 : vector<64xf32> to vector<64x1xf32>
    %broadcast_in_dim3A_40 = vector.shape_cast %reduce_max3A_31 : vector<64xf32> to vector<64x1xf32>
    %get3A_41 = arith.constant 0 : index
    %get3A_42 = arith.constant 8 : index
    %get3A_43 = vector.load %arg2[%get3A_41, %get3A_42] : memref<64x32xf32, #tpu.memory_space<vmem>>, vector<64x8xf32>
    %reduce_max3A_44 = arith.constant dense<0xFF800000> : vector<64xf32>
    %reduce_max3A_45 = vector.multi_reduction <maximumf>, %get3A_43, %reduce_max3A_44 [1] : vector<64x8xf32> to vector<64xf32>
    %broadcast_in_dim3A_46 = vector.shape_cast %reduce_max3A_45 : vector<64xf32> to vector<64x1xf32>
    %sub3A_47 = vector.broadcast %broadcast_in_dim3A_46 : vector<64x1xf32> to vector<64x8xf32>
    %sub3A_48 = arith.subf %get3A_43, %sub3A_47 : vector<64x8xf32>
    %exp3A_49 = math.exp %sub3A_48 : vector<64x8xf32>
    %reduce_sum3A_50 = arith.constant dense<0.000000e+00> : vector<64xf32>
    %reduce_sum3A_51 = vector.multi_reduction <add>, %exp3A_49, %reduce_sum3A_50 [1] : vector<64x8xf32> to vector<64xf32>
    %log3A_52 = math.log %reduce_sum3A_51 : vector<64xf32>
    %broadcast_in_dim3A_53 = vector.shape_cast %log3A_52 : vector<64xf32> to vector<64x1xf32>
    %neg3A_54 = arith.constant 0.000000e+00 : f32
    %neg3A_55 = vector.broadcast %neg3A_54 : f32 to vector<64x1xf32>
    %neg3A_56 = arith.subf %neg3A_55, %broadcast_in_dim3A_53 : vector<64x1xf32>
    %iota3A_57 = tpu.iota {dimensions = array<i32: 1>} : vector<64x8xi32>
    %broadcast_in_dim3A_58 = vector.shape_cast %reduce_max3A_45 : vector<64xf32> to vector<64x1xf32>
    %eq3A_59 = vector.broadcast %broadcast_in_dim3A_58 : vector<64x1xf32> to vector<64x8xf32>
    %eq3A_60 = arith.cmpf oeq, %get3A_43, %eq3A_59 : vector<64x8xf32>
    %jit3A_61 = arith.constant 8 : i32
    %broadcast_in_dim3A_62 = vector.broadcast %jit3A_61 : i32 to vector<64x8xi32>
    %select_n3A_63 = arith.select %eq3A_60, %iota3A_57, %broadcast_in_dim3A_62 : vector<64x8xi1>, vector<64x8xi32>
    %reduce_min3A_64 = arith.constant dense<2147483647> : vector<64xi32>
    %reduce_min3A_65 = vector.multi_reduction <minsi>, %select_n3A_63, %reduce_min3A_64 [1] : vector<64x8xi32> to vector<64xi32>
    %broadcast_in_dim3A_66 = vector.shape_cast %reduce_min3A_65 : vector<64xi32> to vector<64x1xi32>
    %get3A_67 = arith.constant 0 : index
    %get3A_68 = arith.constant 16384 : index
    %get3A_69 = vector.load %arg1[%get3A_67, %get3A_68] : memref<64x32768xf32, #tpu.memory_space<vmem>>, vector<64x8192xf32>
    %reduce_max3A_70 = arith.constant dense<0xFF800000> : vector<64xf32>
    %reduce_max3A_71 = vector.multi_reduction <maximumf>, %get3A_69, %reduce_max3A_70 [1] : vector<64x8192xf32> to vector<64xf32>
    %broadcast_in_dim3A_72 = vector.shape_cast %reduce_max3A_71 : vector<64xf32> to vector<64x1xf32>
    %sub3A_73 = vector.broadcast %broadcast_in_dim3A_72 : vector<64x1xf32> to vector<64x8192xf32>
    %sub3A_74 = arith.subf %get3A_69, %sub3A_73 : vector<64x8192xf32>
    %exp3A_75 = math.exp %sub3A_74 : vector<64x8192xf32>
    %reduce_sum3A_76 = arith.constant dense<0.000000e+00> : vector<64xf32>
    %reduce_sum3A_77 = vector.multi_reduction <add>, %exp3A_75, %reduce_sum3A_76 [1] : vector<64x8192xf32> to vector<64xf32>
    %log3A_78 = math.log %reduce_sum3A_77 : vector<64xf32>
    %broadcast_in_dim3A_79 = vector.shape_cast %log3A_78 : vector<64xf32> to vector<64x1xf32>
    %broadcast_in_dim3A_80 = vector.shape_cast %reduce_max3A_71 : vector<64xf32> to vector<64x1xf32>
    %get3A_81 = arith.constant 0 : index
    %get3A_82 = arith.constant 16 : index
    %get3A_83 = vector.load %arg2[%get3A_81, %get3A_82] : memref<64x32xf32, #tpu.memory_space<vmem>>, vector<64x8xf32>
    %reduce_max3A_84 = arith.constant dense<0xFF800000> : vector<64xf32>
    %reduce_max3A_85 = vector.multi_reduction <maximumf>, %get3A_83, %reduce_max3A_84 [1] : vector<64x8xf32> to vector<64xf32>
    %broadcast_in_dim3A_86 = vector.shape_cast %reduce_max3A_85 : vector<64xf32> to vector<64x1xf32>
    %sub3A_87 = vector.broadcast %broadcast_in_dim3A_86 : vector<64x1xf32> to vector<64x8xf32>
    %sub3A_88 = arith.subf %get3A_83, %sub3A_87 : vector<64x8xf32>
    %exp3A_89 = math.exp %sub3A_88 : vector<64x8xf32>
    %reduce_sum3A_90 = arith.constant dense<0.000000e+00> : vector<64xf32>
    %reduce_sum3A_91 = vector.multi_reduction <add>, %exp3A_89, %reduce_sum3A_90 [1] : vector<64x8xf32> to vector<64xf32>
    %log3A_92 = math.log %reduce_sum3A_91 : vector<64xf32>
    %broadcast_in_dim3A_93 = vector.shape_cast %log3A_92 : vector<64xf32> to vector<64x1xf32>
    %neg3A_94 = arith.constant 0.000000e+00 : f32
    %neg3A_95 = vector.broadcast %neg3A_94 : f32 to vector<64x1xf32>
    %neg3A_96 = arith.subf %neg3A_95, %broadcast_in_dim3A_93 : vector<64x1xf32>
    %iota3A_97 = tpu.iota {dimensions = array<i32: 1>} : vector<64x8xi32>
    %broadcast_in_dim3A_98 = vector.shape_cast %reduce_max3A_85 : vector<64xf32> to vector<64x1xf32>
    %eq3A_99 = vector.broadcast %broadcast_in_dim3A_98 : vector<64x1xf32> to vector<64x8xf32>
    %eq3A_100 = arith.cmpf oeq, %get3A_83, %eq3A_99 : vector<64x8xf32>
    %jit3A_101 = arith.constant 8 : i32
    %broadcast_in_dim3A_102 = vector.broadcast %jit3A_101 : i32 to vector<64x8xi32>
    %select_n3A_103 = arith.select %eq3A_100, %iota3A_97, %broadcast_in_dim3A_102 : vector<64x8xi1>, vector<64x8xi32>
    %reduce_min3A_104 = arith.constant dense<2147483647> : vector<64xi32>
    %reduce_min3A_105 = vector.multi_reduction <minsi>, %select_n3A_103, %reduce_min3A_104 [1] : vector<64x8xi32> to vector<64xi32>
    %broadcast_in_dim3A_106 = vector.shape_cast %reduce_min3A_105 : vector<64xi32> to vector<64x1xi32>
    %get3A_107 = arith.constant 0 : index
    %get3A_108 = arith.constant 24576 : index
    %get3A_109 = vector.load %arg1[%get3A_107, %get3A_108] : memref<64x32768xf32, #tpu.memory_space<vmem>>, vector<64x8192xf32>
    %reduce_max3A_110 = arith.constant dense<0xFF800000> : vector<64xf32>
    %reduce_max3A_111 = vector.multi_reduction <maximumf>, %get3A_109, %reduce_max3A_110 [1] : vector<64x8192xf32> to vector<64xf32>
    %broadcast_in_dim3A_112 = vector.shape_cast %reduce_max3A_111 : vector<64xf32> to vector<64x1xf32>
    %sub3A_113 = vector.broadcast %broadcast_in_dim3A_112 : vector<64x1xf32> to vector<64x8192xf32>
    %sub3A_114 = arith.subf %get3A_109, %sub3A_113 : vector<64x8192xf32>
    %exp3A_115 = math.exp %sub3A_114 : vector<64x8192xf32>
    %reduce_sum3A_116 = arith.constant dense<0.000000e+00> : vector<64xf32>
    %reduce_sum3A_117 = vector.multi_reduction <add>, %exp3A_115, %reduce_sum3A_116 [1] : vector<64x8192xf32> to vector<64xf32>
    %log3A_118 = math.log %reduce_sum3A_117 : vector<64xf32>
    %broadcast_in_dim3A_119 = vector.shape_cast %log3A_118 : vector<64xf32> to vector<64x1xf32>
    %broadcast_in_dim3A_120 = vector.shape_cast %reduce_max3A_111 : vector<64xf32> to vector<64x1xf32>
    %get3A_121 = arith.constant 0 : index
    %get3A_122 = arith.constant 24 : index
    %get3A_123 = vector.load %arg2[%get3A_121, %get3A_122] : memref<64x32xf32, #tpu.memory_space<vmem>>, vector<64x8xf32>
    %reduce_max3A_124 = arith.constant dense<0xFF800000> : vector<64xf32>
    %reduce_max3A_125 = vector.multi_reduction <maximumf>, %get3A_123, %reduce_max3A_124 [1] : vector<64x8xf32> to vector<64xf32>
    %broadcast_in_dim3A_126 = vector.shape_cast %reduce_max3A_125 : vector<64xf32> to vector<64x1xf32>
    %sub3A_127 = vector.broadcast %broadcast_in_dim3A_126 : vector<64x1xf32> to vector<64x8xf32>
    %sub3A_128 = arith.subf %get3A_123, %sub3A_127 : vector<64x8xf32>
    %exp3A_129 = math.exp %sub3A_128 : vector<64x8xf32>
    %reduce_sum3A_130 = arith.constant dense<0.000000e+00> : vector<64xf32>
    %reduce_sum3A_131 = vector.multi_reduction <add>, %exp3A_129, %reduce_sum3A_130 [1] : vector<64x8xf32> to vector<64xf32>
    %log3A_132 = math.log %reduce_sum3A_131 : vector<64xf32>
    %broadcast_in_dim3A_133 = vector.shape_cast %log3A_132 : vector<64xf32> to vector<64x1xf32>
    %neg3A_134 = arith.constant 0.000000e+00 : f32
    %neg3A_135 = vector.broadcast %neg3A_134 : f32 to vector<64x1xf32>
    %neg3A_136 = arith.subf %neg3A_135, %broadcast_in_dim3A_133 : vector<64x1xf32>
    %iota3A_137 = tpu.iota {dimensions = array<i32: 1>} : vector<64x8xi32>
    %broadcast_in_dim3A_138 = vector.shape_cast %reduce_max3A_125 : vector<64xf32> to vector<64x1xf32>
    %eq3A_139 = vector.broadcast %broadcast_in_dim3A_138 : vector<64x1xf32> to vector<64x8xf32>
    %eq3A_140 = arith.cmpf oeq, %get3A_123, %eq3A_139 : vector<64x8xf32>
    %jit3A_141 = arith.constant 8 : i32
    %broadcast_in_dim3A_142 = vector.broadcast %jit3A_141 : i32 to vector<64x8xi32>
    %select_n3A_143 = arith.select %eq3A_140, %iota3A_137, %broadcast_in_dim3A_142 : vector<64x8xi1>, vector<64x8xi32>
    %reduce_min3A_144 = arith.constant dense<2147483647> : vector<64xi32>
    %reduce_min3A_145 = vector.multi_reduction <minsi>, %select_n3A_143, %reduce_min3A_144 [1] : vector<64x8xi32> to vector<64xi32>
    %broadcast_in_dim3A_146 = vector.shape_cast %reduce_min3A_145 : vector<64xi32> to vector<64x1xi32>
    %concatenate3A = tpu.concatenate %broadcast_in_dim3A_6, %broadcast_in_dim3A_40, %broadcast_in_dim3A_80, %broadcast_in_dim3A_120 in 1 : vector<64x1xf32>, vector<64x1xf32>, vector<64x1xf32>, vector<64x1xf32> -> vector<64x4xf32>
    %swap3A = arith.constant 0 : index
    %swap3A_147 = arith.constant 0 : index
    %swap3A_148 = vector.load %arg3[%swap3A, %swap3A_147] : memref<64x4xf32, #tpu.memory_space<vmem>>, vector<64x4xf32>
    tpu.vector_store %arg3[%swap3A, %swap3A_147], %concatenate3A {strides = array<i32>} : memref<64x4xf32, #tpu.memory_space<vmem>>, vector<64x4xf32>,
    %concatenate3A_149 = tpu.concatenate %broadcast_in_dim3A_5, %broadcast_in_dim3A_39, %broadcast_in_dim3A_79, %broadcast_in_dim3A_119 in 1 : vector<64x1xf32>, vector<64x1xf32>, vector<64x1xf32>, vector<64x1xf32> -> vector<64x4xf32>
    %swap3A_150 = arith.constant 0 : index
    %swap3A_151 = arith.constant 0 : index
    %swap3A_152 = vector.load %arg4[%swap3A_150, %swap3A_151] : memref<64x4xf32, #tpu.memory_space<vmem>>, vector<64x4xf32>
    tpu.vector_store %arg4[%swap3A_150, %swap3A_151], %concatenate3A_149 {strides = array<i32>} : memref<64x4xf32, #tpu.memory_space<vmem>>, vector<64x4xf32>,
    %concatenate3A_153 = tpu.concatenate %broadcast_in_dim3A_26, %broadcast_in_dim3A_66, %broadcast_in_dim3A_106, %broadcast_in_dim3A_146 in 1 : vector<64x1xi32>, vector<64x1xi32>, vector<64x1xi32>, vector<64x1xi32> -> vector<64x4xi32>
    %swap3A_154 = arith.constant 0 : index
    %swap3A_155 = arith.constant 0 : index
    %swap3A_156 = vector.load %arg5[%swap3A_154, %swap3A_155] : memref<64x4xi32, #tpu.memory_space<vmem>>, vector<64x4xi32>
    tpu.vector_store %arg5[%swap3A_154, %swap3A_155], %concatenate3A_153 {strides = array<i32>} : memref<64x4xi32, #tpu.memory_space<vmem>>, vector<64x4xi32>,
    %concatenate3A_157 = tpu.concatenate %neg3A_21, %neg3A_56, %neg3A_96, %neg3A_136 in 1 : vector<64x1xf32>, vector<64x1xf32>, vector<64x1xf32>, vector<64x1xf32> -> vector<64x4xf32>
    %swap3A_158 = arith.constant 0 : index
    %swap3A_159 = arith.constant 0 : index
    %swap3A_160 = vector.load %arg6[%swap3A_158, %swap3A_159] : memref<64x4xf32, #tpu.memory_space<vmem>>, vector<64x4xf32>
    tpu.vector_store %arg6[%swap3A_158, %swap3A_159], %concatenate3A_157 {strides = array<i32>} : memref<64x4xf32, #tpu.memory_space<vmem>>, vector<64x4xf32>,
    return
  }
  func.func @transform_0(%arg0: i32) -> (i32, i32) {
    %c0_i32 = arith.constant 0 : i32
    %c0_i32_0 = arith.constant 0 : i32
    return %arg0, %c0_i32 : i32, i32
  }
  func.func @transform_1(%arg0: i32) -> (i32, i32) {
    %c0_i32 = arith.constant 0 : i32
    %c0_i32_0 = arith.constant 0 : i32
    return %arg0, %c0_i32 : i32, i32
  }
  func.func @transform_2(%arg0: i32) -> (i32, i32) {
    %c0_i32 = arith.constant 0 : i32
    %c0_i32_0 = arith.constant 0 : i32
    return %arg0, %c0_i32 : i32, i32
  }
  func.func @transform_3(%arg0: i32) -> (i32, i32) {
    %c0_i32 = arith.constant 0 : i32
    %c0_i32_0 = arith.constant 0 : i32
    return %arg0, %c0_i32 : i32, i32
  }
  func.func @transform_4(%arg0: i32) -> (i32, i32) {
    %c0_i32 = arith.constant 0 : i32
    %c0_i32_0 = arith.constant 0 : i32
    return %arg0, %c0_i32 : i32, i32
  }
  func.func @transform_5(%arg0: i32) -> (i32, i32) {
    %c0_i32 = arith.constant 0 : i32
    %c0_i32_0 = arith.constant 0 : i32
    return %arg0, %c0_i32 : i32, i32
  }
}

</mosaic_0001>

<sc_bundles>
// kernel: kernel.4.cloned.1.call-start
scs
__scs_entry_jumppad:
0x0: {  	(pc) =	sbr.rel $0x88, $3  }
0x1: {  	(tag) =	ssettag $0x0;
	lr =	simm.s32 $0x1  }
0x2: {  	[smem:$0x3F9A] =	sst lr;
	_ =	strace $0xD0000000  }
0x3: {  	_ = 	snop  }
0x4: {  	_ = 	snop  }
0x5: {  	_ = 	snop  }
0x6: {  	_ = 	snop  }
0x7: {  	_ = 	snop  }
__scs_overlays_trampoline_lowered:
0x8: {  	[smem:$0x3FA9] =	sst s0  }
0x9: {  	[smem:$0x3FAA] =	sst s1  }
0xa: {  	[smem:$0x3FAB] =	sst s2  }
0xb: {  	[smem:$0x3FAC] =	sst s3  }
0xc: {  	[smem:$0x3FAD] =	sst s4  }
0xd: {  	[smem:$0x3FAE] =	sst s5  }
0xe: {  	[smem:$0x3FAF] =	sst s6  }
0xf: {  	[smem:$0x3FB0] =	sst s7  }
0x10: {  	[smem:$0x3FB1] =	sst s8  }
0x11: {  	[smem:$0x3FB2] =	sst s9;
	s0 =	simm.s32 @!p0 $0x0  }
0x12: {  	s1 =	sld [smem:$0x3F98];
	s0 =	simm.s32 @p0 $0x1  }
0x13: {  	[smem:$0x3FB3] =	sst s0;
	s0 =	simm.s32 @!p1 $0x0  }
0x14: {  	s2 =	sld [smem:$0x3F97];
	s0 =	simm.s32 @p1 $0x1  }
0x15: {  	[smem:$0x3FB4] =	sst s0;
	s0 =	simm.s32 @!p2 $0x0  }
0x16: {  	s3 =	sld [smem:$0x3FDB];
	s0 =	simm.s32 @p2 $0x1  }
0x17: {  	s4 =	simm.s32 $0x1BF5;
	[smem:$0x3FB6] =	sst s0  }
0x18: {  	s0 =	sld [smem:$0x3F99];
	_ =	swait.ge [sflag:s4], $0x0  }
0x19: {  	s7 =	sld [smem:$0x3F9A]  }
0x1a: {  	s8 =	sadd.s32 $0xFFFFE003, lr  }
0x1b: {  	s9 =	sadd.s32 $0xFFFFFEF7, lr;
	s5 =	simm.s32 $0xFFFFFFFF;
	p2 =	slt.u32 s8, $0xFFFFF086  }
0x1c: {  	p1 =	slt.u32 s9, $0xF7A;
	s5 =	simm.s32 @!p2 $0x0  }
0x1d: {  	s5 =	simm.s32 @p1 $0x1;
	p0 =	seq.s32 s7, s2  }
0x1e: {  	s7 =	smul.u32 @!p0 $0xF7A, s2;
	p2 =	seq.s32 @!p0 s5, $0x0  }
0x1f: {  	s9 =	smul.u32 $0xF7A, s1;
	s8 =	simm.s32 @!p0 $0x1BF5;
	p2 =	por !p2, p0  }
0x20: {  	[sflag:s8] =	ssyncset.s32 @!p0 $0xFFFFF086;
	s6 =	sadd.s32 @!p0 s3, s7;
	s7 =	simm.s32 @!p0 $0x108  }
0x21: {  	s3 =	sadd.s32 s3, s9;
	s6 =	sadd.s32 @!p0 $0x88, s6;
	s7 =	simm.s32 @p2 $0x1082  }
0x22: {  	[simem:s7], [sflag:s8] =	dma.local @!p0 [hbm:s6], $0xF7A  }
0x23: {  	s9 =	sor.u32 $0xD0000000, s2;
	s6 =	simm.s32 $0x108;
	_ =	swait.ge @!p0 [sflag:s8], $0x0  }
0x24: {  	s3 =	sadd.s32 $0x88, s3;
	s6 =	simm.s32 @!p1 $0x1082;
	[sflag:s4] =	ssyncset.s32 $0xFFFFF086  }
0x25: {  	[simem:s6], [sflag:s4] =	dma.local [hbm:s3], $0xF7A  }
0x26: {  	[smem:$0x3F9A] =	sst s1;
	(tag) =	ssettag s2;
	_ =	strace s9  }
0x27: {  	s1 =	sld [smem:$0x3FAA]  }
0x28: {  	s2 =	sld [smem:$0x3FAB]  }
0x29: {  	s4 =	sld [smem:$0x3FAD]  }
0x2a: {  	p0 =	seq.s32 s5, $0x0;
	s5 =	sld [smem:$0x3FAE]  }
0x2b: {  	s6 =	sld [smem:$0x3FAF]  }
0x2c: {  	s7 =	sld [smem:$0x3FB0]  }
0x2d: {  	s3 =	simm.s32 $0x108;
	s8 =	sld [smem:$0x3FB1]  }
0x2e: {  	s3 =	simm.s32 @!p0 $0x1082;
	s9 =	sld [smem:$0x3FB2]  }
0x2f: {  	lr =	sadd.s32 s0, s3;
	s0 =	sld [smem:$0x3FA9]  }
0x30: {  	s3 =	sld [smem:$0x3FAC]  }
0x31: {  	[smem:$0x3FB5] =	sst s10  }
0x32: {  	s10 =	sld [smem:$0x3FB3];
	_ =	sdelay $0x3  }
0x33: {  	p0 =	seq.s32 s10, $0x1;
	s10 =	sld [smem:$0x3FB5];
	_ =	sdelay $0x3  }
0x34: {  	[smem:$0x3FB5] =	sst s10  }
0x35: {  	s10 =	sld [smem:$0x3FB4];
	_ =	sdelay $0x3  }
0x36: {  	p1 =	seq.s32 s10, $0x1;
	s10 =	sld [smem:$0x3FB5];
	_ =	sdelay $0x3  }
0x37: {  	[smem:$0x3FB5] =	sst s10  }
0x38: {  	s10 =	sld [smem:$0x3FB6]  }
0x39: {  	_ = 	snop;
	(pc) =	sbr.ind lr, $3  }
0x3a: {  	_ = 	snop  }
0x3b: {  	_ = 	snop  }
0x3c: {  	p2 =	seq.s32 s10, $0x1;
	s10 =	sld [smem:$0x3FB5]  }
0x3d: {  	_ =	shalt  }
0x3e: {  	_ =	shalt  }
0x3f: {  	_ =	shalt  }
0x40: {  	_ =	shalt  }
0x41: {  	_ =	shalt  }
0x42: {  	_ =	shalt  }
0x43: {  	_ =	shalt  }
0x44: {  	_ =	shalt  }
0x45: {  	_ =	shalt  }
0x46: {  	_ =	shalt  }
0x47: {  	_ =	shalt  }
0x48: {  	_ =	shalt  }
0x49: {  	_ =	shalt  }
0x4a: {  	_ =	shalt  }
0x4b: {  	_ =	shalt  }
0x4c: {  	_ =	shalt  }
0x4d: {  	_ =	shalt  }
0x4e: {  	_ =	shalt  }
0x4f: {  	_ =	shalt  }
0x50: {  	_ =	shalt  }
0x51: {  	_ =	shalt  }
0x52: {  	_ =	shalt  }
0x53: {  	_ =	shalt  }
0x54: {  	_ =	shalt  }
0x55: {  	_ =	shalt  }
0x56: {  	_ =	shalt  }
0x57: {  	_ =	shalt  }
0x58: {  	_ =	shalt  }
0x59: {  	_ =	shalt  }
0x5a: {  	_ =	shalt  }
0x5b: {  	_ =	shalt  }
0x5c: {  	_ =	shalt  }
0x5d: {  	_ =	shalt  }
0x5e: {  	_ =	shalt  }
0x5f: {  	_ =	shalt  }
0x60: {  	_ =	shalt  }
0x61: {  	_ =	shalt  }
0x62: {  	_ =	shalt  }
0x63: {  	_ =	shalt  }
0x64: {  	_ =	shalt  }
0x65: {  	_ =	shalt  }
0x66: {  	_ =	shalt  }
0x67: {  	_ =	shalt  }
0x68: {  	_ =	shalt  }
0x69: {  	_ =	shalt  }
0x6a: {  	_ =	shalt  }
0x6b: {  	_ =	shalt  }
0x6c: {  	_ =	shalt  }
0x6d: {  	_ =	shalt  }
0x6e: {  	_ =	shalt  }
0x6f: {  	_ =	shalt  }
0x70: {  	_ =	shalt  }
0x71: {  	_ =	shalt  }
0x72: {  	_ =	shalt  }
0x73: {  	_ =	shalt  }
0x74: {  	_ =	shalt  }
0x75: {  	_ =	shalt  }
0x76: {  	_ =	shalt  }
0x77: {  	_ =	shalt  }
0x78: {  	_ =	shalt  }
0x79: {  	_ =	shalt  }
0x7a: {  	_ =	shalt  }
0x7b: {  	_ =	shalt  }
0x7c: {  	_ =	shalt  }
0x7d: {  	_ =	shalt  }
0x7e: {  	_ =	shalt  }
0x7f: {  	_ =	shalt  }
0x80: {  	_ =	shalt  }
0x81: {  	_ =	shalt  }
0x82: {  	_ =	shalt  }
0x83: {  	_ =	shalt  }
0x84: {  	_ =	shalt  }
0x85: {  	_ =	shalt  }
0x86: {  	_ =	shalt  }
0x87: {  	_ =	shalt  }
.Lfunc_end0:
.L_simem_size_0:
called_computation_lowered:
.L_overlay_start_0:
0x88: {  	s2 =	sld [smem:$0x3FD9]  }
0x89: {  	s3 =	sld [smem:$0x3FFE];
	_ =	sdelay $0x1  }
0x8a: {  	s1 =	srdreg.scid  }
0x8b: {  	s0 =	sand.u32 $0x1, s1  }
0x8c: {  	s14 =	sshll.u32 s0, $0xA;
	s2 =	sadd.s32 s3, s2  }
0x8d: {  	s2 =	sadd.s32 s2, s14  }
0x8e: {  	[smem:$0x3FC1] =	sst s2  }
0x8f: {  	_ = 	snop  }
0x90: {  	s2 =	sld [smem:$0x3FD0];
	_ =	sdelay $0x1  }
0x91: {  	s15 =	sld [smem:$0x3FC9]  }
0x92: {  	s5 =	simm.s32 $0xA;
	s6 =	simm.s32 $0x10;
	s4 =	sld [smem:$0x3FC6]  }
0x93: {  	[smem:s6], [sflag:s5] =	dma.local [hbm:s2], $0x1  }
0x94: {  	_ =	swait.eq [sflag:s5], $0x1  }
0x95: {  	[sflag:s5] =	ssyncset.done $0x0  }
0x96: {  	s16 =	sld [smem:$0x10];
	[sflag:s5] =	ssyncadd.s32 $0xFFFFFFFF  }
0x97: {  	s17 =	sld [smem:$0x12];
	(tm) =	ssettm $0x1  }
0x98: {  	s18 =	sld [smem:$0x3FFB];
	_ =	sdelay $0x3  }
0x99: {  	_ =	strace s18  }
0x9a: {  	s6 =	sld [smem:$0x3FFC];
	_ =	sdelay $0x3  }
0x9b: {  	_ =	strace s6  }
0x9c: {  	s6 =	sld [smem:$0x3FFD];
	_ =	sdelay $0x3  }
0x9d: {  	_ =	strace s6  }
0x9e: {  	_ =	strace $0x8FFFFFFF  }
0x9f: {  	s19 =	sld [smem:$0x3FDB];
	_ =	sdelay $0x1  }
0xa0: {  	s7 =	simm.s32 $_scs_section_size  }
0xa1: {  	s8 =	simm.s32 $_size__tile_overlayer_lowered;
	s9 =	simm.s32 $_tile_overlayer_lowered  }
0xa2: {  	s22 =	simm.s32 $0x1BFF;
	s21 =	sshll.u32 s9, $0x1;
	s6 =	sadd.s32 s7, s19  }
0xa3: {  	s10 =	simm.s32 $0x0;
	s20 =	sshll.u32 s8, $0x1;
	s8 =	sadd.s32 s21, s6  }
0xa4: {  	[timem:s10], [sflag:s22] =	dma.local [hbm:s8], s20  }
0xa5: {  	_ =	swait.ge [sflag:s22], s20  }
0xa6: {  	s7 =	ssub.s32 $0x0, s20;
	[sflag:s22] =	ssyncset.done $0x0  }
0xa7: {  	[sflag:s22] =	ssyncadd.s32 s7;
	_ =	sdelay $0x1  }
0xa8: {  	s23 =	simm.s32 $0x1B8B  }
0xa9: {  	_ =	swait.ge [sflag:s23], $0x1  }
0xaa: {  	[sflag:s23] =	ssyncset.done $0x0  }
0xab: {  	s25 =	simm.s32 $0x1B8E;
	s24 =	sld [smem:$0x3FFE];
	[sflag:s23] =	ssyncadd.s32 $0xFFFFFFFF  }
0xac: {  	s26 =	simm.s32 $execute0_lowered;
	[smem:$0x3FD2] =	sst s25  }
0xad: {  	s8 =	sshll.u32 s26, $0x1;
	_ =	strace $0x80000046;
	[dreg:$0x1] =	wrdreg $0xFFFFFFFF  }
0xae: {  	s28 =	simm.s32 $_size_execute0_lowered;
	s6 =	sadd.s32 s6, s8;
	[dreg:$0x0] =	wrdreg $0x0  }
0xaf: {  	s8 =	sshll.u32 s28, $0x1;
	[dreg:$0x2] =	wrdreg s6  }
0xb0: {  	[dreg:$0x3] =	wrdreg s8  }
0xb1: {  	[dreg:$0x4] =	wrdreg $0xC0  }
0xb2: {  	_ =	task [dreg:s10], $0x5FFFF  }
0xb3: {  	[dreg:$0x1] =	wrdreg $0xFFFFFFFF  }
0xb4: {  	[dreg:$0x0] =	wrdreg $0x60  }
0xb5: {  	[dreg:$0x2] =	wrdreg s15  }
0xb6: {  	[dreg:$0x3] =	wrdreg s24  }
0xb7: {  	[dreg:$0x4] =	wrdreg s4  }
0xb8: {  	[dreg:$0x5] =	wrdreg s16  }
0xb9: {  	[dreg:$0x6] =	wrdreg s17  }
0xba: {  	[dreg:$0x7] =	wrdreg $0x9  }
0xbb: {  	_ =	task.clear_ibuf [dreg:s10], $0x8FFFF;
	_ =	strace $0x90000046  }
0xbc: {  	s29 =	simm.s32 $0x9;
	_ =	strace $0x80000048  }
0xbd: {  	_ =	swait.ge [sflag:s29], $0x1  }
0xbe: {  	[sflag:s29] =	ssyncadd.s32 $0xFFFFFFFF  }
0xbf: {  	_ =	strace $0x90000048  }
0xc0: {  	_ =	sfence  }
0xc1: {  	s30 =	sld [smem:$0x0];
	_ =	sdelay $0x2  }
0xc2: {  	s31 =	sshll.u32 s1, $0xD;
	s1 =	sshrl.u32 s1, $0x2  }
0xc3: {  	s3 =	sand.u32 $0x4000, s31;
	s1 =	sadd.s32 s1, s30  }
0xc4: {  	s0 =	sor.u32 s3, s0;
	s1 =	sshll.u32 s1, $0x11  }
0xc5: {  	s0 =	sor.u32 s1, s0  }
0xc6: {  	s0 =	sadd.s32 $0x8F2B, s0  }
0xc7: {  	[sflag:s0] =	ssyncadd.remote.s32 $0x1  }
0xc8: {  	_ =	sfence.sel $0xFFFF  }
0xc9: {  	[dreg:$0x0] =	wrdreg $0xFFFFFFFF;
	(pc) =	sbr.abs _section_cstart, $3  }
0xca: {  	[dreg:$0x1] =	wrdreg $0xFFFFFFFF  }
0xcb: {  	_ =	task.clear_ibuf [dreg:s10], $0x2FFFF;
	_ =	strace $0x9FFFFFFF  }
0xcc: {  	(tm) =	ssettm $0x7FFFFFFF  }
0xcd: {  	_ =	shalt  }
tec
execute0_lowered:
.L_overlay_start_1:
0x0: {  	(tag) =	ssettag $0x1  }
0x1: {  	s0 =	rddreg [dreg:$0x0]  }
0x2: {  	s7 =	rddreg [dreg:$0x1]  }
0x3: {  	s9 =	rddreg [dreg:$0x2]  }
0x4: {  	s10 =	rddreg [dreg:$0x3];
	s2 =	srdreg.scid  }
0x5: {  	s1 =	stileid.u32;
	s11 =	rddreg [dreg:$0x4];
	s3 =	simm.s32 $0x0  }
0x6: {  	s16 =	simm.s32 $0x1;
	s17 =	simm.s32 $0x20;
	s18 =	simm.s32 $0x80  }
0x7: {  	s19 =	simm.s32 $0x120;
	s20 =	simm.s32 $0x220;
	s21 =	simm.s32 $0x1A0  }
0x8: {  	s22 =	simm.s32 $0x2A0;
	s23 =	simm.s32 $0x2;
	s24 =	simm.s32 $0x460  }
0x9: {  	s25 =	simm.s32 $0x4A0;
	s26 =	simm.s32 $0x0;
	s4 =	sand.u32 $0x1, s2  }
0xa: {  	s5 =	sshll.u32 s1, $0x1;
	[smem:$0x7FF] =	sst s3;
	s6 =	sadd.s32 $0x1600, s7  }
0xb: {  	s12 =	sor.u32 s4, s5;
	_ =	strace $0x80000047;
	s14 =	ssub.s32 $0x2, s4  }
0xc: {  	v2 =	vlaneseq.u32;
	s4 =	sadd.s32 $0x1200, s7;
	s5 =	sadd.s32 $0xE00, s7;
	s31 =	sshll.u32 s12, $0x4  }
.Ltmp0:
0xd: {  	v1 =	vmul.u32 $0x8000, v2;
	s13 =	sshll.u32 s12, $0x1;
	s15 =	sshrl.u32 s14, $0x1;
	v0 =	vmov s31;
	(pc) =	sbr.rel .LBB2_1-.Ltmp0, $4  }
0xe: {  	v3 =	vand.u32 $0x7, v2;
	s12 =	sshll.u32 s12, $0x3;
	s8 =	sadd.s32 s13, s7;
	s7 =	sadd.s32 $0x3800, s7;
	v0 =	vshll.u32 v0, $0xF  }
0xf: {  	s14 =	ssub.s32 s14, s15;
	s9 =	sadd.s32 s9, s13;
	s10 =	sadd.s32 s10, s12;
	v0 =	vor.u32 v1, v0;
	v1 =	vmul.u32 $0x80, v3  }
0x10: {  	s11 =	sadd.s32 s11, s12;
	s13 =	simm.s32 $0x420;
	s15 =	simm.s32 $0x10;
	v0 =	vand.u32 $0x7FFC0000, v0  }
0x11: {  	s8 =	sadd.s32 $0x3600, s8;
	s12 =	smax.u32 s14, $0x1;
	s14 =	simm.s32 $0x3;
	v0 =	vor.u32 v1, v0;
	v1 =	vmul.u32 $0x10, v2;
	v2 =	vmul.u32 $0x4, v2  }
.LBB2_8:
0x12: {  	[hbm4b:s10+s3] =	stream.linear.scatter [tilespmem:s24], [sflag:$0x3], $0x40, $0x38;
	[tilespmem:$0x4E0] =	vst v63  }
0x13: {  	s26 =	sadd.s32 $0x1, s26;
	_ =	swait.ge [sflag:s14], $0x40  }
0x14: {  	p0 =	sne.s32 s26, s12;
	[sflag:s14] =	ssyncset.done $0x0  }
.Ltmp1:
0x15: {  	[sflag:s14] =	ssyncadd.s32 $0xFFFFFFC0;
	(pc) =	sbr.rel @!p0 .LBB2_9-.Ltmp1, $4  }
0x16: {  	[hbm4b:s11+s3] =	stream.linear.scatter [tilespmem:s25], [sflag:$0x3], $0x40, $0x38;
	[tilespmem:$0x4E0] =	vst v63  }
0x17: {  	_ =	swait.ge [sflag:s14], $0x40  }
0x18: {  	[sflag:s14] =	ssyncset.done $0x0  }
0x19: {  	[sflag:s14] =	ssyncadd.s32 $0xFFFFFFC0  }
.LBB2_1:
0x1a: {  	[tilespmem:s13], [sflag:$0x3] =	stream.linear.gather [hbm4b:s7+s3], $0x10, $0x38;
	[tilespmem:$0x4E0] =	vst v63  }
0x1b: {  	_ =	swait.ge [sflag:s14], $0x10  }
0x1c: {  	[sflag:s14] =	ssyncset.done $0x0  }
0x1d: {  	[sflag:s14] =	ssyncadd.s32 $0xFFFFFFF0  }
0x1e: {  	[tilespmem:s3], [sflag:$0x3] =	stream.linear.gather [hbm4b:s8+s3], $0x10, $0x38;
	[tilespmem:$0x4E0] =	vst v63  }
0x1f: {  	_ =	swait.ge [sflag:s14], $0x10  }
0x20: {  	[sflag:s14] =	ssyncset.done $0x0  }
0x21: {  	[sflag:s14] =	ssyncadd.s32 $0xFFFFFFF0  }
0x22: {  	[tilespmem:s15], [sflag:$0x1] =	stream.indirect.gather [hbm4b:s4+s15], $0x1, s3, s15, $0xb8;
	[tilespmem:$0x4E0] =	vst v63  }
0x23: {  	_ =	swait.ge [sflag:s16], $0x10  }
0x24: {  	[sflag:s16] =	ssyncset.done $0x0  }
0x25: {  	[sflag:s16] =	ssyncadd.s32 $0xFFFFFFF0  }
0x26: {  	v3 =	vld [tilespmem:$0x10];
	_ =	sdelay $0x4  }
0x27: {  	v3 =	vadd.s32 $0xFFFFFFFF, v3  }
0x28: {  	[tilespmem:$0x10] =	vst v3  }
0x29: {  	[tilespmem:s3], [sflag:$0x3] =	stream.linear.gather [hbm4b:s9+s3], $0x10, $0x38;
	[tilespmem:$0x4E0] =	vst v63  }
0x2a: {  	_ =	swait.ge [sflag:s14], $0x10  }
0x2b: {  	[sflag:s14] =	ssyncset.done $0x0  }
0x2c: {  	[sflag:s14] =	ssyncadd.s32 $0xFFFFFFF0  }
0x2d: {  	v4 =	vld [tilespmem:$0x0];
	_ =	sdelay $0x4  }
0x2e: {  	s28 =	simm.s32 $0x0;
	v3 =	vld [tilespmem:$0x420];
	[tilespmem:$0x430] =	vst v4  }
.LBB2_2:
0x2f: {  	s29 =	simm.s32 $0x0  }
0x30: {  	v4 =	vmov s29  }
0x31: {  	v4 =	vand.u32 $0xF, v4  }
0x32: {  	v4 =	vbroadcast v4, $0x0;
	_ =	sdelay $0x1  }
0x33: {  	[tilespmem:s17], [sflag:$0x1] =	stream.indirect.gather [hbm4b:s6+s15], $0x10, s15, s15, $0xb8;
	v5 =	vor.u32 v1, v4;
	[tilespmem:$0x4E0] =	vst v63  }
0x34: {  	_ =	swait.ge [sflag:s16], $0x100  }
0x35: {  	[sflag:s16] =	ssyncset.done $0x0  }
0x36: {  	[sflag:s16] =	ssyncadd.s32 $0xFFFFFF00  }
0x37: {  	v4 =	vld [tilespmem:$0x430]  }
0x38: {  	v6 =	vld.idx.msk [tilespmem:v5+s17+$0x0], $0xffff;
	_ =	sdelay $0x3  }
0x39: {  	s30 =	simm.s32 $0x1  }
0x3a: {  	v7 =	vmov s30;
	vm0 =	veq.s32 v6, $0x2000;
	vm1 =	veq.s32 v6, v4  }
0x3b: {  	s29 =	sshll.u32 s28, $0xD;
	v7 =	vand.u32 $0xF, v7;
	vm0 =	vmor vm0, vm1  }
0x3c: {  	v7 =	vbroadcast v7, $0x0;
	v5 =	vmov s29;
	v8 =	vsel vm0, $0x0, v6  }
0x3d: {  	s30 =	simm.s32 $0x320;
	v6 =	vsel vm1, $0x2000, v6;
	v9 =	vadd.s32 v5, v8  }
0x3e: {  	v8 =	vand.u32 $0x7F, v8;
	[tilespmem:s30+$0x0] =	vst v6;
	v6 =	vor.u32 v1, v7;
	v9 =	vshll.u32 v9, $0x3  }
0x3f: {  	v8 =	vor.u32 v8, v0;
	v9 =	vand.u32 $0xFFFFFC00, v9  }
0x40: {  	s31 =	simm.s32 $0x2;
	s29 =	simm.s32 $0x120;
	v7 =	vor.u32 v9, v8  }
.LBB2_3:
0x41: {  	s30 =	sadd.s32 $0x10, s30  }
0x42: {  	[tilespmem:s29+$0x0] =	vst v7;
	s29 =	sadd.s32 $0x10, s29;
	s2 =	smov.u32 s31;
	s1 =	sadd.s32 $0x1, s31  }
0x43: {  	p0 =	sne.s32 s31, $0xF;
	v6 =	vld.idx.msk [tilespmem:v6+s17+$0x0], $0xffff;
	_ =	sdelay $0x4  }
0x44: {  	v7 =	vmov s2  }
0x45: {  	v7 =	vand.u32 $0xF, v7;
	vm0 =	veq.s32 v6, $0x2000;
	vm1 =	veq.s32 v6, v4  }
0x46: {  	v7 =	vbroadcast v7, $0x0;
	vm0 =	vmor vm0, vm1;
	v8 =	vsel vm1, $0x2000, v6  }
.Ltmp2:
0x47: {  	[tilespmem:s30+$0x0] =	vst v8;
	v8 =	vsel vm0, $0x0, v6;
	(pc) =	sbr.rel @p0 .LBB2_3-.Ltmp2, $4  }
0x48: {  	v6 =	vor.u32 v1, v7;
	v7 =	vadd.s32 v5, v8;
	v8 =	vand.u32 $0x7F, v8  }
0x49: {  	v7 =	vshll.u32 v7, $0x3  }
0x4a: {  	v8 =	vor.u32 v8, v0;
	v7 =	vand.u32 $0xFFFFFC00, v7  }
0x4b: {  	s31 =	smov.u32 s1;
	v7 =	vor.u32 v7, v8  }
0x4c: {  	_ =	sdelay $0x2  }
0x4d: {  	[tilespmem:s29+$0x0] =	vst v7  }
0x4e: {  	v6 =	vld.idx.msk [tilespmem:v6+s17+$0x0], $0xffff;
	_ =	sdelay $0x4  }
0x4f: {  	vm0 =	veq.s32 v6, $0x2000;
	vm1 =	veq.s32 v6, v4  }
0x50: {  	vm0 =	vmor vm0, vm1  }
0x51: {  	v4 =	vsel vm0, $0x0, v6  }
0x52: {  	v5 =	vadd.s32 v5, v4  }
0x53: {  	v4 =	vand.u32 $0x7F, v4;
	v5 =	vshll.u32 v5, $0x3  }
0x54: {  	s1 =	sadd.s32 $0x10, s30;
	v6 =	vsel vm1, $0x2000, v6;
	v4 =	vor.u32 v4, v0;
	v5 =	vand.u32 $0xFFFFFC00, v5  }
0x55: {  	s2 =	sadd.s32 $0x10, s29;
	[tilespmem:s1+$0x0] =	vst v6;
	v4 =	vor.u32 v5, v4  }
0x56: {  	[tilespmem:s2+$0x0] =	vst v4  }
0x57: {  	[tilespmem:s20], [sflag:$0x1] =	stream.indirect.gather [hbm4b:s0+s18], $0x1, s19, s18, $0xb8;
	[tilespmem:$0x4E0] =	vst v63  }
0x58: {  	_ = 	snop  }
0x59: {  	[tilespmem:s22], [sflag:$0x2] =	stream.indirect.gather [hbm4b:s0+s18], $0x1, s21, s18, $0xb8;
	[tilespmem:$0x4E0] =	vst v63  }
0x5a: {  	_ =	swait.ge [sflag:s16], $0x80  }
0x5b: {  	[sflag:s16] =	ssyncset.done $0x0  }
0x5c: {  	[sflag:s16] =	ssyncadd.s32 $0xFFFFFF80  }
0x5d: {  	_ =	swait.ge [sflag:s23], $0x80  }
0x5e: {  	[sflag:s23] =	ssyncset.done $0x0  }
0x5f: {  	[sflag:s23] =	ssyncadd.s32 $0xFFFFFF80  }
0x60: {  	v4 =	vld [tilespmem:$0x320]  }
0x61: {  	v5 =	vld [tilespmem:$0x220];
	_ =	sdelay $0x3  }
0x62: {  	vm15 =	veq.s32 v4, $0x2000  }
0x63: {  	[tilespmem:$0x450] =	vst v4;
	v4 =	vsel vm15, $0xFF800000, v5  }
0x64: {  	s30 =	simm.s32 $0x10;
	s29 =	simm.s32 $0x80;
	[tilespmem:$0x440] =	vst v4  }
.LBB2_5:
0x65: {  	p0 =	sne.s32 s29, $0x3C0;
	v4 =	vld [tilespmem:s30+$0x320]  }
0x66: {  	v5 =	vld [tilespmem:s30+$0x220]  }
0x67: {  	v6 =	vld [tilespmem:$0x440]  }
0x68: {  	v7 =	vld [tilespmem:$0x450];
	_ =	sdelay $0x1  }
0x69: {  	vm0 =	veq.s32 v4, $0x2000  }
.Ltmp3:
0x6a: {  	v5 =	vsel vm0, $0xFF800000, v5;
	(pc) =	sbr.rel @p0 .LBB2_5-.Ltmp3, $4  }
0x6b: {  	vm0 =	vgt.f32 v5, v6  }
0x6c: {  	v5 =	vsel vm0, v5, v6;
	v4 =	vsel vm0, v4, v7  }
0x6d: {  	[tilespmem:$0x440] =	vst v5  }
0x6e: {  	s30 =	sshra.s32 s29, $0x2;
	s29 =	sadd.s32 $0x40, s29;
	[tilespmem:$0x450] =	vst v4  }
0x6f: {  	v4 =	vld [tilespmem:s30+$0x320]  }
0x70: {  	v5 =	vld [tilespmem:s30+$0x220]  }
0x71: {  	v6 =	vld [tilespmem:$0x440]  }
0x72: {  	v7 =	vld [tilespmem:$0x450];
	_ =	sdelay $0x1  }
0x73: {  	vm0 =	veq.s32 v4, $0x2000  }
0x74: {  	v8 =	vor.u32 s28, v2;
	v5 =	vsel vm0, $0xFF800000, v5  }
0x75: {  	vm0 =	vgt.f32 v5, v6  }
0x76: {  	v5 =	vsel vm0, v5, v6;
	v4 =	vsel vm0, v4, v7  }
0x77: {  	[tilespmem:$0x440] =	vst v5;
	vm0 =	veq.s32 v4, $0x2000  }
0x78: {  	[tilespmem:$0x450] =	vst v4;
	v4 =	vsel vm0, v3, v4  }
0x79: {  	[tilespmem:v8+s24+$0x0] =	vst.idx.msk $0xffff, v4  }
0x7a: {  	v5 =	vld [tilespmem:$0x440]  }
0x7b: {  	p0 =	seq.s32 s28, $0x3  }
.Ltmp4:
0x7c: {  	_ = 	snop;
	(pc) =	sbr.rel @p0 .LBB2_8-.Ltmp4, $3  }
0x7d: {  	_ =	sdelay $0x1  }
0x7e: {  	[tilespmem:v8+s25+$0x0] =	vst.idx.msk $0xffff, v5  }
0x7f: {  	[tilespmem:$0x430] =	vst v4  }
0x80: {  	[tilespmem:$0x0] =	vst v4  }
0x81: {  	[tilespmem:s15], [sflag:$0x1] =	stream.indirect.gather [hbm4b:s5+s15], $0x1, s3, s15, $0xb8;
	[tilespmem:$0x4E0] =	vst v63  }
0x82: {  	_ =	swait.ge [sflag:s16], $0x10  }
0x83: {  	[sflag:s16] =	ssyncset.done $0x0  }
0x84: {  	[sflag:s16] =	ssyncadd.s32 $0xFFFFFFF0  }
0x85: {  	v4 =	vld [tilespmem:$0x10];
	_ =	sdelay $0x1  }
.Ltmp5:
0x86: {  	_ = 	snop;
	(pc) =	sbr.rel .LBB2_2-.Ltmp5, $3  }
0x87: {  	_ =	sdelay $0x1  }
0x88: {  	v4 =	vadd.s32 $0xFFFFFFFF, v4  }
0x89: {  	s28 =	sadd.s32 $0x1, s28;
	[tilespmem:$0x10] =	vst v4  }
.LBB2_9:
0x8a: {  	_ =	sfence.sel $0x180000  }
0x8b: {  	[bflag:$0x0] =	sbarrier.arrive $0xFFFF  }
0x8c: {  	_ =	strace $0x90000047  }
0x8d: {  	s0 =	stileid.u32;
	[bflag:$0x2] =	sbarrier.arrive $0xFFFF  }
0x8e: {  	p0 =	sne.s32 s0, $0x0;
	s0 =	rddreg [dreg:$0x5]  }
0x8f: {  	s0 =	sadd.s32 @!p0 $0x100000, s0  }
0x90: {  	[sflag:s0] =	ssyncadd.tile.s32 @!p0 $0x1;
	_ =	shalt  }
.Lfunc_end2:
_tile_overlayer_lowered:
.L_overlay_start_2:
0x91: {  	(tag) =	ssettag $0x2  }
0x92: {  	s0 =	rddreg [dreg:$0x0];
	s2 =	stileid.u32  }
0x93: {  	s1 =	rddreg [dreg:$0x1];
	p0 =	sne.s32 s2, $0x0  }
0x94: {  	s3 =	rddreg [dreg:$0x2];
	[bflag:$0x3] =	sbarrier.arrive $0xFFFF;
	s2 =	simm.s32 @!p0 $0x1C03  }
0x95: {  	[timem:s3], [sflag:s2] =	dma.local @!p0 [hbm:s0], s1  }
0x96: {  	s0 =	simm.s32 @!p0 $0x3  }
0x97: {  	_ =	swait.ge @!p0 [sflag:s0], s1  }
0x98: {  	s1 =	ssub.s32 @!p0 $0x0, s1;
	[sflag:s0] =	ssyncset.done @!p0 $0x0  }
0x99: {  	[sflag:s0] =	ssyncadd.s32 @!p0 s1  }
0x9a: {  	[bflag:$0x3] =	sbarrier.arrive $0xFFFF  }
0x9b: {  	_ =	shalt  }

</sc_bundles>
